<compile_context>
chip_gen: v7x
topology: tpu7x:2x2x1
jax: 0.10.2.dev20260603
libtpu: 0.0.44.dev20260713+nightly
codegen_flags: <defaults>
</compile_context>

<pallas_src>
import functools

import jax
import jax.numpy as jnp
from jax import lax
from jax.experimental import pallas as pl
from jax.experimental.pallas import tpu as pltpu
from jax.experimental.pallas import tpu_sc as plsc

_BETA = 0.25
_M = 8192
_C = 256
_K = 8192
_MB = 2048
_KB = 4096
_SEG_ENDS = (0, 1, 1)

_NC = 2
_NS = 16
_NW = _NC * _NS
_BPW = _M // _NW
_CHUNK = 128


def _argmin_body(xsq_ref, esq_ref, x_ref, emb_ref, idx_ref,
                 xm2_ref, seg_v_ref, seg_i_ref, glob_v_ref, glob_i_ref):
    k = pl.program_id(1)
    nk = pl.num_programs(1)

    @pl.when(k == 0)
    def _init():
        xm2_ref[...] = x_ref[...] * -2.0
        seg_v_ref[...] = jnp.full((_MB, 1), jnp.inf, jnp.float32)
        seg_i_ref[...] = jnp.zeros((_MB, 1), jnp.float32)
        glob_v_ref[...] = jnp.full((_MB, 1), jnp.inf, jnp.float32)
        glob_i_ref[...] = jnp.zeros((_MB, 1), jnp.float32)

    dotm2 = jnp.dot(
        xm2_ref[...], emb_ref[...], preferred_element_type=jnp.float32
    )
    scores = (xsq_ref[...] + dotm2) + esq_ref[...]
    lane = lax.broadcasted_iota(jnp.int32, (_MB, 128), 1).astype(jnp.float32)
    rv = scores[:, 0:128]
    ri = lane + (k * _KB).astype(jnp.float32)
    for j in range(1, _KB // 128):
        sj = scores[:, j * 128:(j + 1) * 128]
        lt = sj < rv
        rv = jnp.where(lt, sj, rv)
        ri = jnp.where(lt, lane + (k * _KB + j * 128).astype(jnp.float32), ri)
    cmin = jnp.min(rv, axis=1, keepdims=True)
    cidx = jnp.min(
        jnp.where(rv == cmin, ri, jnp.float32(2**24)),
        axis=1,
        keepdims=True,
    )
    better = cmin < seg_v_ref[...]
    seg_v_ref[...] = jnp.where(better, cmin, seg_v_ref[...])
    seg_i_ref[...] = jnp.where(better, cidx, seg_i_ref[...])

    is_seg_end = (k == _SEG_ENDS[0]) | (k == _SEG_ENDS[1]) | (k == _SEG_ENDS[2])

    @pl.when(is_seg_end)
    def _merge():
        upd = seg_v_ref[...] < glob_v_ref[...]
        gv = jnp.where(upd, seg_v_ref[...], glob_v_ref[...])
        glob_v_ref[...] = gv.astype(jnp.bfloat16).astype(jnp.float32)
        glob_i_ref[...] = jnp.where(upd, seg_i_ref[...], glob_i_ref[...])
        seg_v_ref[...] = jnp.full((_MB, 1), jnp.inf, jnp.float32)
        seg_i_ref[...] = jnp.zeros((_MB, 1), jnp.float32)

    @pl.when(k == nk - 1)
    def _emit():
        idx_ref[...] = glob_i_ref[...].astype(jnp.int32)


def _argmin_call(x_flat, emb, xsq, esq):
    grid = (_M // _MB, _K // _KB)
    return pl.pallas_call(
        _argmin_body,
        grid=grid,
        in_specs=[
            pl.BlockSpec((_MB, 1), lambda m, k: (m, 0)),
            pl.BlockSpec((1, _KB), lambda m, k: (0, k)),
            pl.BlockSpec((_MB, _C), lambda m, k: (m, 0)),
            pl.BlockSpec((_C, _KB), lambda m, k: (0, k)),
        ],
        out_specs=pl.BlockSpec((_MB, 1), lambda m, k: (m, 0)),
        out_shape=jax.ShapeDtypeStruct((_M, 1), jnp.int32),
        scratch_shapes=[
            pltpu.VMEM((_MB, _C), jnp.float32),
            pltpu.VMEM((_MB, 1), jnp.float32),
            pltpu.VMEM((_MB, 1), jnp.float32),
            pltpu.VMEM((_MB, 1), jnp.float32),
            pltpu.VMEM((_MB, 1), jnp.float32),
        ],
        compiler_params=pltpu.CompilerParams(
            dimension_semantics=("parallel", "arbitrary"),
        ),
    )(xsq, esq, x_flat, emb)


def _sc_body(embt_hbm, idx_hbm, q_hbm, hist_hbm,
             idx_a, idx_b, rows_a, rows_b, hist_v, isem, gsem):
    c = lax.axis_index("c")
    s = lax.axis_index("s")
    wid = s * _NC + c
    base = wid * _BPW

    cp_a = pltpu.async_copy(idx_hbm.at[pl.ds(base, _CHUNK)], idx_a, isem)
    cp_b = pltpu.async_copy(idx_hbm.at[pl.ds(base + _CHUNK, _CHUNK)], idx_b,
                            isem)

    zero16 = jnp.zeros((16,), jnp.float32)

    def _zero(i, _):
        for u in range(8):
            hist_v[pl.ds(i * 128 + u * 16, 16)] = zero16
        return 0

    lax.fori_loop(0, _K // 128, _zero, 0)
    cp_a.wait()
    cp_b.wait()

    g_a = pltpu.async_copy(embt_hbm.at[idx_a], rows_a, gsem)
    g_b = pltpu.async_copy(embt_hbm.at[idx_b], rows_b, gsem)

    ones16 = jnp.ones((16,), jnp.float32)
    for idx_v in (idx_a, idx_b):
        def _accum(t, _):
            idx16 = idx_v[pl.ds(t * 16, 16)]
            plsc.addupdate_scatter(hist_v, [idx16], ones16)
            return 0

        lax.fori_loop(0, _CHUNK // 16, _accum, 0)

    g_a.wait()
    pltpu.sync_copy(rows_a, q_hbm.at[pl.ds(base, _CHUNK)])
    g_b.wait()
    pltpu.sync_copy(rows_b, q_hbm.at[pl.ds(base + _CHUNK, _CHUNK)])
    pltpu.sync_copy(hist_v, hist_hbm.at[wid])


def _sc_gather_hist(embt, idx_flat):
    mesh = plsc.VectorSubcoreMesh(
        core_axis_name="c", subcore_axis_name="s",
        num_cores=_NC, num_subcores=_NS,
    )
    fn = pl.kernel(
        _sc_body,
        out_type=[
            jax.ShapeDtypeStruct((_M, _C), jnp.float32),
            jax.ShapeDtypeStruct((_NW, _K), jnp.float32),
        ],
        mesh=mesh,
        scratch_types=[
            pltpu.VMEM((_CHUNK,), jnp.int32),
            pltpu.VMEM((_CHUNK,), jnp.int32),
            pltpu.VMEM((_CHUNK, _C), jnp.float32),
            pltpu.VMEM((_CHUNK, _C), jnp.float32),
            pltpu.VMEM((_K,), jnp.float32),
            pltpu.SemaphoreType.DMA,
            pltpu.SemaphoreType.DMA,
        ],
        compiler_params=pltpu.CompilerParams(needs_layout_passes=False),
    )
    return fn(embt, idx_flat)


def _final_body(x_ref, q_ref, hist_ref, loss_ref, perp_ref, sse_ref):
    i = pl.program_id(0)
    ni = pl.num_programs(0)

    @pl.when(i == 0)
    def _init():
        sse_ref[0] = 0.0

    diff = q_ref[...] - x_ref[...]
    sse_ref[0] += jnp.sum(diff * diff)

    @pl.when(i == ni - 1)
    def _emit():
        mean = sse_ref[0] / jnp.float32(_M * _C)
        loss = mean + _BETA * mean
        loss_ref[...] = jnp.full((1, 1), loss, jnp.float32)
        counts = jnp.sum(hist_ref[...], axis=0, keepdims=True)
        uniform = jnp.float32(1.0 / _K)
        probs = uniform * 0.9 + (counts / jnp.float32(_M)) * 0.1
        ent = jnp.sum(probs * jnp.log(probs + 1e-10))
        perp_ref[...] = jnp.full((1, 1), jnp.exp(-ent), jnp.float32)


def _final_call(x_flat, q, hist):
    grid = (_M // _MB,)
    return pl.pallas_call(
        _final_body,
        grid=grid,
        in_specs=[
            pl.BlockSpec((_MB, _C), lambda i: (i, 0)),
            pl.BlockSpec((_MB, _C), lambda i: (i, 0)),
            pl.BlockSpec((_NW, _K), lambda i: (0, 0)),
        ],
        out_specs=[
            pl.BlockSpec((1, 1), lambda i: (0, 0)),
            pl.BlockSpec((1, 1), lambda i: (0, 0)),
        ],
        out_shape=[
            jax.ShapeDtypeStruct((1, 1), jnp.float32),
            jax.ShapeDtypeStruct((1, 1), jnp.float32),
        ],
        scratch_shapes=[pltpu.SMEM((1,), jnp.float32)],
        compiler_params=pltpu.CompilerParams(
            dimension_semantics=("arbitrary",),
        ),
    )(x_flat, q, hist)


def kernel(x, emb):
    x_flat = x.reshape(-1, _C)
    xsq = (x_flat ** 2).sum(axis=1, keepdims=True)
    esq = (emb ** 2).sum(axis=0, keepdims=True)
    idx = _argmin_call(x_flat, emb, xsq, esq)
    embt = emb.T
    q, hist = _sc_gather_hist(embt, idx.reshape(_M))
    loss, perp = _final_call(x_flat, q, hist)
    return q.reshape(x.shape), loss[0, 0], perp[0, 0]

# --- scband reference (transcript-rebuilt; emitter-appended) ---
"""Pipeline reference for scband-vector-quantizer-4509715660932 (READ-ONLY COPY).

The authoritative reference and input builder live on the scoring server;
editing this copy changes nothing except your own understanding.
"""

import jax, jax.numpy as jnp
import numpy as np

VOCAB_SIZE = 8192
BETA = 0.25


def setup_inputs(seed: int = 0) -> dict:
    key = jax.random.key(seed)
    k1, k2 = jax.random.split(key)
    x = jax.random.normal(k1, (8, 1024, 256), dtype=jnp.float32)
    C = 256
    # xavier_uniform init for vq_embed [C, vocab_size]
    limit = float(np.sqrt(6.0 / (C + VOCAB_SIZE)))
    emb = jax.random.uniform(k2, (C, VOCAB_SIZE), dtype=jnp.float32, minval=-limit, maxval=limit)
    return {"x": x, "emb": emb}


def reference(x, emb):
    C = x.shape[-1]
    vocab_size = emb.shape[1]
    x_flat = x.reshape([-1, C])
    distances = (x_flat ** 2).sum(axis=1, keepdims=True) - 2 * jnp.einsum('mc,ck->mk', x_flat, emb) + (emb ** 2).sum(axis=0, keepdims=True)
    encoding_indices = jnp.argmax(-distances, axis=-1)
    encodings = jax.nn.one_hot(encoding_indices, vocab_size)
    quantized = jnp.einsum('mk,ck->mc', encodings, emb)
    quantized = quantized.reshape(x.shape)
    e_latent_loss = ((jax.lax.stop_gradient(quantized) - x) ** 2).mean()
    q_latent_loss = ((quantized - jax.lax.stop_gradient(x)) ** 2).mean()
    loss_vq = q_latent_loss + BETA * e_latent_loss
    quantized = x + jax.lax.stop_gradient(quantized - x)
    avg_probs = encodings.mean(axis=0)
    # dist_util.pmean is identity on a single device
    # running_avg_probs variable initialized uniform, train=True EMA update
    running_avg_probs = jnp.ones((vocab_size,), jnp.float32) / vocab_size
    momentum = 0.9
    running_avg_probs = running_avg_probs * momentum + avg_probs * (1 - momentum)
    avg_probs = running_avg_probs
    perplexity = jnp.exp(-jnp.sum(avg_probs * jnp.log(avg_probs + 1e-10)))
    return (quantized, loss_vq, perplexity)

if __name__ == "__main__":
    import jax
    _d = setup_inputs()
    print(jax.jit(kernel)(*tuple(_d.values())))

</pallas_src>

<mosaic_0001>
#map = affine_map<(d0, d1) -> (0, 0)>
#map1 = affine_map<(d0, d1) -> (0)>
module attributes {stable_mosaic.version = 14 : i64} {
  func.func @_sc_body(%arg0: i32, %arg1: i32, %arg2: memref<8192x256xf32, #tpu.memory_space<hbm>>, %arg3: memref<8192xi32, #tpu.memory_space<hbm>>, %arg4: memref<8192x256xf32, #tpu.memory_space<hbm>>, %arg5: memref<32x8192xf32, #tpu.memory_space<hbm>>, %arg6: memref<128xi32, #tpu.memory_space<vmem>>, %arg7: memref<128xi32, #tpu.memory_space<vmem>>, %arg8: memref<128x256xf32, #tpu.memory_space<vmem>>, %arg9: memref<128x256xf32, #tpu.memory_space<vmem>>, %arg10: memref<8192xf32, #tpu.memory_space<vmem>>, %arg11: memref<!tpu.dma_semaphore, #tpu.memory_space<semaphore_mem>>, %arg12: memref<!tpu.dma_semaphore, #tpu.memory_space<semaphore_mem>>) attributes {dimension_semantics = [#tpu.dimension_semantics<core_parallel>, #tpu.dimension_semantics<subcore_parallel>], iteration_bounds = array<i64: 2, 16>, scalar_prefetch = 0 : i64, scratch_operands = 7 : i64, tpu.core_type = #tpu.core_type<sc_vector_subcore>, window_params = [{transform_indices = #map}, {transform_indices = #map1}, {transform_indices = #map}, {transform_indices = #map}]} {
    %mul3A = arith.constant 2 : i32
    %mul3A_0 = arith.muli %arg1, %mul3A : i32
    %add3A = arith.addi %mul3A_0, %arg0 : i32
    %mul3A_1 = arith.constant 256 : i32
    %mul3A_2 = arith.muli %add3A, %mul3A_1 : i32
    %dma_start3A = tpu.memref_slice %arg3[%mul3A_2] : memref<8192xi32, #tpu.memory_space<hbm>> -> memref<128xi32, #tpu.memory_space<hbm>>
    %dma_start3A_3 = tpu.memref_slice %arg3[%mul3A_2] : memref<8192xi32, #tpu.memory_space<hbm>> -> memref<128xi32, #tpu.memory_space<hbm>>
    tpu.enqueue_dma source(%dma_start3A_3 : memref<128xi32, #tpu.memory_space<hbm>>) target(%arg6 : memref<128xi32, #tpu.memory_space<vmem>>) target_semaphore(%arg11 : memref<!tpu.dma_semaphore, #tpu.memory_space<semaphore_mem>>)
    %add3A_4 = arith.constant 128 : i32
    %add3A_5 = arith.addi %mul3A_2, %add3A_4 : i32
    %dma_start3A_6 = tpu.memref_slice %arg3[%add3A_5] : memref<8192xi32, #tpu.memory_space<hbm>> -> memref<128xi32, #tpu.memory_space<hbm>>
    %dma_start3A_7 = tpu.memref_slice %arg3[%add3A_5] : memref<8192xi32, #tpu.memory_space<hbm>> -> memref<128xi32, #tpu.memory_space<hbm>>
    tpu.enqueue_dma source(%dma_start3A_7 : memref<128xi32, #tpu.memory_space<hbm>>) target(%arg7 : memref<128xi32, #tpu.memory_space<vmem>>) target_semaphore(%arg11 : memref<!tpu.dma_semaphore, #tpu.memory_space<semaphore_mem>>)
    %broadcast_in_dim3A = arith.constant 0.000000e+00 : f32
    %broadcast_in_dim3A_8 = vector.broadcast %broadcast_in_dim3A : f32 to vector<16xf32>
    %scan3A = arith.constant 0 : i32
    %scan3A_9 = arith.constant 0 : i32
    %scan3A_10 = arith.constant 64 : i32
    %scan3A_11 = arith.addi %scan3A_9, %scan3A_10 : i32
    %scan3A_12 = arith.constant 1 : i32
    %scan3A_13 = scf.for %scan3A_48 = %scan3A_9 to %scan3A_11 step %scan3A_12 iter_args(%scan3A_49 = %scan3A) -> (i32)  : i32 {
      %mul3A_50 = arith.constant 128 : i32
      %mul3A_51 = arith.muli %scan3A_48, %mul3A_50 : i32
      %add3A_52 = arith.constant 0 : i32
      %add3A_53 = arith.addi %mul3A_51, %add3A_52 : i32
      %swap3A = arith.index_cast %add3A_53 : i32 to index
      %swap3A_54 = tpu.vector_load %arg10[%swap3A] {strides = array<i32>} : memref<8192xf32, #tpu.memory_space<vmem>>, vector<16xf32>,
      tpu.vector_store %arg10[%swap3A], %broadcast_in_dim3A_8 {strides = array<i32>} : memref<8192xf32, #tpu.memory_space<vmem>>, vector<16xf32>,
      %mul3A_55 = arith.constant 128 : i32
      %mul3A_56 = arith.muli %scan3A_48, %mul3A_55 : i32
      %add3A_57 = arith.constant 16 : i32
      %add3A_58 = arith.addi %mul3A_56, %add3A_57 : i32
      %swap3A_59 = arith.index_cast %add3A_58 : i32 to index
      %swap3A_60 = tpu.vector_load %arg10[%swap3A_59] {strides = array<i32>} : memref<8192xf32, #tpu.memory_space<vmem>>, vector<16xf32>,
      tpu.vector_store %arg10[%swap3A_59], %broadcast_in_dim3A_8 {strides = array<i32>} : memref<8192xf32, #tpu.memory_space<vmem>>, vector<16xf32>,
      %mul3A_61 = arith.constant 128 : i32
      %mul3A_62 = arith.muli %scan3A_48, %mul3A_61 : i32
      %add3A_63 = arith.constant 32 : i32
      %add3A_64 = arith.addi %mul3A_62, %add3A_63 : i32
      %swap3A_65 = arith.index_cast %add3A_64 : i32 to index
      %swap3A_66 = tpu.vector_load %arg10[%swap3A_65] {strides = array<i32>} : memref<8192xf32, #tpu.memory_space<vmem>>, vector<16xf32>,
      tpu.vector_store %arg10[%swap3A_65], %broadcast_in_dim3A_8 {strides = array<i32>} : memref<8192xf32, #tpu.memory_space<vmem>>, vector<16xf32>,
      %mul3A_67 = arith.constant 128 : i32
      %mul3A_68 = arith.muli %scan3A_48, %mul3A_67 : i32
      %add3A_69 = arith.constant 48 : i32
      %add3A_70 = arith.addi %mul3A_68, %add3A_69 : i32
      %swap3A_71 = arith.index_cast %add3A_70 : i32 to index
      %swap3A_72 = tpu.vector_load %arg10[%swap3A_71] {strides = array<i32>} : memref<8192xf32, #tpu.memory_space<vmem>>, vector<16xf32>,
      tpu.vector_store %arg10[%swap3A_71], %broadcast_in_dim3A_8 {strides = array<i32>} : memref<8192xf32, #tpu.memory_space<vmem>>, vector<16xf32>,
      %mul3A_73 = arith.constant 128 : i32
      %mul3A_74 = arith.muli %scan3A_48, %mul3A_73 : i32
      %add3A_75 = arith.constant 64 : i32
      %add3A_76 = arith.addi %mul3A_74, %add3A_75 : i32
      %swap3A_77 = arith.index_cast %add3A_76 : i32 to index
      %swap3A_78 = tpu.vector_load %arg10[%swap3A_77] {strides = array<i32>} : memref<8192xf32, #tpu.memory_space<vmem>>, vector<16xf32>,
      tpu.vector_store %arg10[%swap3A_77], %broadcast_in_dim3A_8 {strides = array<i32>} : memref<8192xf32, #tpu.memory_space<vmem>>, vector<16xf32>,
      %mul3A_79 = arith.constant 128 : i32
      %mul3A_80 = arith.muli %scan3A_48, %mul3A_79 : i32
      %add3A_81 = arith.constant 80 : i32
      %add3A_82 = arith.addi %mul3A_80, %add3A_81 : i32
      %swap3A_83 = arith.index_cast %add3A_82 : i32 to index
      %swap3A_84 = tpu.vector_load %arg10[%swap3A_83] {strides = array<i32>} : memref<8192xf32, #tpu.memory_space<vmem>>, vector<16xf32>,
      tpu.vector_store %arg10[%swap3A_83], %broadcast_in_dim3A_8 {strides = array<i32>} : memref<8192xf32, #tpu.memory_space<vmem>>, vector<16xf32>,
      %mul3A_85 = arith.constant 128 : i32
      %mul3A_86 = arith.muli %scan3A_48, %mul3A_85 : i32
      %add3A_87 = arith.constant 96 : i32
      %add3A_88 = arith.addi %mul3A_86, %add3A_87 : i32
      %swap3A_89 = arith.index_cast %add3A_88 : i32 to index
      %swap3A_90 = tpu.vector_load %arg10[%swap3A_89] {strides = array<i32>} : memref<8192xf32, #tpu.memory_space<vmem>>, vector<16xf32>,
      tpu.vector_store %arg10[%swap3A_89], %broadcast_in_dim3A_8 {strides = array<i32>} : memref<8192xf32, #tpu.memory_space<vmem>>, vector<16xf32>,
      %mul3A_91 = arith.constant 128 : i32
      %mul3A_92 = arith.muli %scan3A_48, %mul3A_91 : i32
      %add3A_93 = arith.constant 112 : i32
      %add3A_94 = arith.addi %mul3A_92, %add3A_93 : i32
      %swap3A_95 = arith.index_cast %add3A_94 : i32 to index
      %swap3A_96 = tpu.vector_load %arg10[%swap3A_95] {strides = array<i32>} : memref<8192xf32, #tpu.memory_space<vmem>>, vector<16xf32>,
      tpu.vector_store %arg10[%swap3A_95], %broadcast_in_dim3A_8 {strides = array<i32>} : memref<8192xf32, #tpu.memory_space<vmem>>, vector<16xf32>,
      %scan3A_97 = arith.constant 0 : i32
      scf.yield %scan3A_97 : i32
    }
    %scan3A_14 = arith.constant 64 : i32
    %dma_wait3A = tpu.memref_slice %arg3[%mul3A_2] : memref<8192xi32, #tpu.memory_space<hbm>> -> memref<128xi32, #tpu.memory_space<hbm>>
    %dma_wait3A_15 = tpu.memref_slice %arg3[%mul3A_2] : memref<8192xi32, #tpu.memory_space<hbm>> -> memref<128xi32, #tpu.memory_space<hbm>>
    tpu.wait_dma2 semaphore(%arg11 : memref<!tpu.dma_semaphore, #tpu.memory_space<semaphore_mem>>) src(%dma_wait3A_15 : memref<128xi32, #tpu.memory_space<hbm>>) dst(%arg6 : memref<128xi32, #tpu.memory_space<vmem>>)
    %dma_wait3A_16 = tpu.memref_slice %arg3[%add3A_5] : memref<8192xi32, #tpu.memory_space<hbm>> -> memref<128xi32, #tpu.memory_space<hbm>>
    %dma_wait3A_17 = tpu.memref_slice %arg3[%add3A_5] : memref<8192xi32, #tpu.memory_space<hbm>> -> memref<128xi32, #tpu.memory_space<hbm>>
    tpu.wait_dma2 semaphore(%arg11 : memref<!tpu.dma_semaphore, #tpu.memory_space<semaphore_mem>>) src(%dma_wait3A_17 : memref<128xi32, #tpu.memory_space<hbm>>) dst(%arg7 : memref<128xi32, #tpu.memory_space<vmem>>)
    %dma_start3A_18 = arith.constant 0 : i32
    %dma_start3A_19 = arith.constant 0 : i32
    %dma_start3A_20 = tpu.memref_slice %arg2[%dma_start3A_18, %dma_start3A_19] : memref<8192x256xf32, #tpu.memory_space<hbm>> -> memref<8192x256xf32, #tpu.memory_space<hbm>>
    tpu.enqueue_indirect_dma source(%dma_start3A_20 : memref<8192x256xf32, #tpu.memory_space<hbm>>) target(%arg8 : memref<128x256xf32, #tpu.memory_space<vmem>>) offsets(%arg6 : memref<128xi32, #tpu.memory_space<vmem>>) semaphore(%arg12 : memref<!tpu.dma_semaphore, #tpu.memory_space<semaphore_mem>>)
    %dma_start3A_21 = arith.constant 0 : i32
    %dma_start3A_22 = arith.constant 0 : i32
    %dma_start3A_23 = tpu.memref_slice %arg2[%dma_start3A_21, %dma_start3A_22] : memref<8192x256xf32, #tpu.memory_space<hbm>> -> memref<8192x256xf32, #tpu.memory_space<hbm>>
    tpu.enqueue_indirect_dma source(%dma_start3A_23 : memref<8192x256xf32, #tpu.memory_space<hbm>>) target(%arg9 : memref<128x256xf32, #tpu.memory_space<vmem>>) offsets(%arg7 : memref<128xi32, #tpu.memory_space<vmem>>) semaphore(%arg12 : memref<!tpu.dma_semaphore, #tpu.memory_space<semaphore_mem>>)
    %broadcast_in_dim3A_24 = arith.constant 1.000000e+00 : f32
    %broadcast_in_dim3A_25 = vector.broadcast %broadcast_in_dim3A_24 : f32 to vector<16xf32>
    %scan3A_26 = arith.constant 0 : i32
    %scan3A_27 = arith.constant 0 : i32
    %scan3A_28 = arith.constant 8 : i32
    %scan3A_29 = arith.addi %scan3A_27, %scan3A_28 : i32
    %scan3A_30 = arith.constant 1 : i32
    %scan3A_31 = scf.for %scan3A_48 = %scan3A_27 to %scan3A_29 step %scan3A_30 iter_args(%scan3A_49 = %scan3A_26) -> (i32)  : i32 {
      %mul3A_50 = arith.constant 16 : i32
      %mul3A_51 = arith.muli %scan3A_48, %mul3A_50 : i32
      %get3A = arith.index_cast %mul3A_51 : i32 to index
      %get3A_52 = tpu.vector_load %arg6[%get3A] {strides = array<i32>} : memref<128xi32, #tpu.memory_space<vmem>>, vector<16xi32>,
      tpu.vector_store_idx %arg10[%get3A_52], %broadcast_in_dim3A_25 {add = true} : memref<8192xf32, #tpu.memory_space<vmem>>[vector<16xi32>], vector<16xf32>,
      %scan3A_53 = arith.constant 0 : i32
      scf.yield %scan3A_53 : i32
    }
    %scan3A_32 = arith.constant 8 : i32
    %scan3A_33 = arith.constant 0 : i32
    %scan3A_34 = arith.constant 0 : i32
    %scan3A_35 = arith.constant 8 : i32
    %scan3A_36 = arith.addi %scan3A_34, %scan3A_35 : i32
    %scan3A_37 = arith.constant 1 : i32
    %scan3A_38 = scf.for %scan3A_48 = %scan3A_34 to %scan3A_36 step %scan3A_37 iter_args(%scan3A_49 = %scan3A_33) -> (i32)  : i32 {
      %mul3A_50 = arith.constant 16 : i32
      %mul3A_51 = arith.muli %scan3A_48, %mul3A_50 : i32
      %get3A = arith.index_cast %mul3A_51 : i32 to index
      %get3A_52 = tpu.vector_load %arg7[%get3A] {strides = array<i32>} : memref<128xi32, #tpu.memory_space<vmem>>, vector<16xi32>,
      tpu.vector_store_idx %arg10[%get3A_52], %broadcast_in_dim3A_25 {add = true} : memref<8192xf32, #tpu.memory_space<vmem>>[vector<16xi32>], vector<16xf32>,
      %scan3A_53 = arith.constant 0 : i32
      scf.yield %scan3A_53 : i32
    }
    %scan3A_39 = arith.constant 8 : i32
    %dma_wait3A_40 = arith.constant 0 : i32
    %dma_wait3A_41 = arith.constant 0 : i32
    %dma_wait3A_42 = tpu.memref_slice %arg2[%dma_wait3A_40, %dma_wait3A_41] : memref<8192x256xf32, #tpu.memory_space<hbm>> -> memref<8192x256xf32, #tpu.memory_space<hbm>>
    tpu.wait_indirect_dma semaphore(%arg12 : memref<!tpu.dma_semaphore, #tpu.memory_space<semaphore_mem>>) src(%dma_wait3A_42 : memref<8192x256xf32, #tpu.memory_space<hbm>>) dst(%arg8 : memref<128x256xf32, #tpu.memory_space<vmem>>)
    "tpu.region"() ({
      %run_scoped3A = tpu.sem_alloc : memref<!tpu.dma_semaphore, #tpu.memory_space<semaphore_mem>>
      %dma_start3A_48 = arith.constant 0 : i32
      %dma_start3A_49 = tpu.memref_slice %arg4[%mul3A_2, %dma_start3A_48] : memref<8192x256xf32, #tpu.memory_space<hbm>> -> memref<128x256xf32, #tpu.memory_space<hbm>>
      %dma_start3A_50 = arith.constant 0 : i32
      %dma_start3A_51 = tpu.memref_slice %arg4[%mul3A_2, %dma_start3A_50] : memref<8192x256xf32, #tpu.memory_space<hbm>> -> memref<128x256xf32, #tpu.memory_space<hbm>>
      tpu.enqueue_dma source(%arg8 : memref<128x256xf32, #tpu.memory_space<vmem>>) target(%dma_start3A_51 : memref<128x256xf32, #tpu.memory_space<hbm>>) target_semaphore(%run_scoped3A : memref<!tpu.dma_semaphore, #tpu.memory_space<semaphore_mem>>)
      %dma_wait3A_52 = arith.constant 0 : i32
      %dma_wait3A_53 = tpu.memref_slice %arg4[%mul3A_2, %dma_wait3A_52] : memref<8192x256xf32, #tpu.memory_space<hbm>> -> memref<128x256xf32, #tpu.memory_space<hbm>>
      %dma_wait3A_54 = arith.constant 0 : i32
      %dma_wait3A_55 = tpu.memref_slice %arg4[%mul3A_2, %dma_wait3A_54] : memref<8192x256xf32, #tpu.memory_space<hbm>> -> memref<128x256xf32, #tpu.memory_space<hbm>>
      tpu.wait_dma2 semaphore(%run_scoped3A : memref<!tpu.dma_semaphore, #tpu.memory_space<semaphore_mem>>) src(%arg8 : memref<128x256xf32, #tpu.memory_space<vmem>>) dst(%dma_wait3A_55 : memref<128x256xf32, #tpu.memory_space<hbm>>)
      tpu.yield
    }) : () -> ()
    %dma_wait3A_43 = arith.constant 0 : i32
    %dma_wait3A_44 = arith.constant 0 : i32
    %dma_wait3A_45 = tpu.memref_slice %arg2[%dma_wait3A_43, %dma_wait3A_44] : memref<8192x256xf32, #tpu.memory_space<hbm>> -> memref<8192x256xf32, #tpu.memory_space<hbm>>
    tpu.wait_indirect_dma semaphore(%arg12 : memref<!tpu.dma_semaphore, #tpu.memory_space<semaphore_mem>>) src(%dma_wait3A_45 : memref<8192x256xf32, #tpu.memory_space<hbm>>) dst(%arg9 : memref<128x256xf32, #tpu.memory_space<vmem>>)
    %add3A_46 = arith.constant 128 : i32
    %add3A_47 = arith.addi %mul3A_2, %add3A_46 : i32
    "tpu.region"() ({
      %run_scoped3A = tpu.sem_alloc : memref<!tpu.dma_semaphore, #tpu.memory_space<semaphore_mem>>
      %dma_start3A_48 = arith.constant 0 : i32
      %dma_start3A_49 = tpu.memref_slice %arg4[%add3A_47, %dma_start3A_48] : memref<8192x256xf32, #tpu.memory_space<hbm>> -> memref<128x256xf32, #tpu.memory_space<hbm>>
      %dma_start3A_50 = arith.constant 0 : i32
      %dma_start3A_51 = tpu.memref_slice %arg4[%add3A_47, %dma_start3A_50] : memref<8192x256xf32, #tpu.memory_space<hbm>> -> memref<128x256xf32, #tpu.memory_space<hbm>>
      tpu.enqueue_dma source(%arg9 : memref<128x256xf32, #tpu.memory_space<vmem>>) target(%dma_start3A_51 : memref<128x256xf32, #tpu.memory_space<hbm>>) target_semaphore(%run_scoped3A : memref<!tpu.dma_semaphore, #tpu.memory_space<semaphore_mem>>)
      %dma_wait3A_52 = arith.constant 0 : i32
      %dma_wait3A_53 = tpu.memref_slice %arg4[%add3A_47, %dma_wait3A_52] : memref<8192x256xf32, #tpu.memory_space<hbm>> -> memref<128x256xf32, #tpu.memory_space<hbm>>
      %dma_wait3A_54 = arith.constant 0 : i32
      %dma_wait3A_55 = tpu.memref_slice %arg4[%add3A_47, %dma_wait3A_54] : memref<8192x256xf32, #tpu.memory_space<hbm>> -> memref<128x256xf32, #tpu.memory_space<hbm>>
      tpu.wait_dma2 semaphore(%run_scoped3A : memref<!tpu.dma_semaphore, #tpu.memory_space<semaphore_mem>>) src(%arg9 : memref<128x256xf32, #tpu.memory_space<vmem>>) dst(%dma_wait3A_55 : memref<128x256xf32, #tpu.memory_space<hbm>>)
      tpu.yield
    }) : () -> ()
    "tpu.region"() ({
      %run_scoped3A = tpu.sem_alloc : memref<!tpu.dma_semaphore, #tpu.memory_space<semaphore_mem>>
      %dma_start3A_48 = arith.constant 0 : i32
      %dma_start3A_49 = tpu.memref_slice %arg5[%add3A, %dma_start3A_48] : memref<32x8192xf32, #tpu.memory_space<hbm>> -> memref<1x8192xf32, #tpu.memory_space<hbm>>
      %dma_start3A_50 = tpu.memref_squeeze %dma_start3A_49 : memref<1x8192xf32, #tpu.memory_space<hbm>> -> memref<8192xf32, #tpu.memory_space<hbm>>
      %dma_start3A_51 = arith.constant 0 : i32
      %dma_start3A_52 = tpu.memref_slice %arg5[%add3A, %dma_start3A_51] : memref<32x8192xf32, #tpu.memory_space<hbm>> -> memref<1x8192xf32, #tpu.memory_space<hbm>>
      %dma_start3A_53 = tpu.memref_squeeze %dma_start3A_52 : memref<1x8192xf32, #tpu.memory_space<hbm>> -> memref<8192xf32, #tpu.memory_space<hbm>>
      tpu.enqueue_dma source(%arg10 : memref<8192xf32, #tpu.memory_space<vmem>>) target(%dma_start3A_53 : memref<8192xf32, #tpu.memory_space<hbm>>) target_semaphore(%run_scoped3A : memref<!tpu.dma_semaphore, #tpu.memory_space<semaphore_mem>>)
      %dma_wait3A_54 = arith.constant 0 : i32
      %dma_wait3A_55 = tpu.memref_slice %arg5[%add3A, %dma_wait3A_54] : memref<32x8192xf32, #tpu.memory_space<hbm>> -> memref<1x8192xf32, #tpu.memory_space<hbm>>
      %dma_wait3A_56 = tpu.memref_squeeze %dma_wait3A_55 : memref<1x8192xf32, #tpu.memory_space<hbm>> -> memref<8192xf32, #tpu.memory_space<hbm>>
      %dma_wait3A_57 = arith.constant 0 : i32
      %dma_wait3A_58 = tpu.memref_slice %arg5[%add3A, %dma_wait3A_57] : memref<32x8192xf32, #tpu.memory_space<hbm>> -> memref<1x8192xf32, #tpu.memory_space<hbm>>
      %dma_wait3A_59 = tpu.memref_squeeze %dma_wait3A_58 : memref<1x8192xf32, #tpu.memory_space<hbm>> -> memref<8192xf32, #tpu.memory_space<hbm>>
      tpu.wait_dma2 semaphore(%run_scoped3A : memref<!tpu.dma_semaphore, #tpu.memory_space<semaphore_mem>>) src(%arg10 : memref<8192xf32, #tpu.memory_space<vmem>>) dst(%dma_wait3A_59 : memref<8192xf32, #tpu.memory_space<hbm>>)
      tpu.yield
    }) : () -> ()
    return
  }
}

module attributes {stable_mosaic.version = 14 : i64} {
  func.func @_argmin_body(%arg0: i32, %arg1: i32, %arg2: memref<2048x1xf32, #tpu.memory_space<vmem>>, %arg3: memref<1x4096xf32, #tpu.memory_space<vmem>>, %arg4: memref<2048x256xf32, #tpu.memory_space<vmem>>, %arg5: memref<256x4096xf32, #tpu.memory_space<vmem>>, %arg6: memref<2048x1xi32, #tpu.memory_space<vmem>>, %arg7: memref<2048x256xf32, #tpu.memory_space<vmem>>, %arg8: memref<2048x1xf32, #tpu.memory_space<vmem>>, %arg9: memref<2048x1xf32, #tpu.memory_space<vmem>>, %arg10: memref<2048x1xf32, #tpu.memory_space<vmem>>, %arg11: memref<2048x1xf32, #tpu.memory_space<vmem>>) attributes {dimension_semantics = [#tpu.dimension_semantics<parallel>, #tpu.dimension_semantics<arbitrary>], iteration_bounds = array<i64: 4, 2>, scalar_prefetch = 0 : i64, scratch_operands = 5 : i64, tpu.core_type = #tpu.core_type<tc>, window_params = [{transform_indices = @transform_0, window_bounds = array<i64: 2048, 1>}, {transform_indices = @transform_1, window_bounds = array<i64: 1, 4096>}, {transform_indices = @transform_2, window_bounds = array<i64: 2048, 256>}, {transform_indices = @transform_3, window_bounds = array<i64: 256, 4096>}, {transform_indices = @transform_4, window_bounds = array<i64: 2048, 1>}]} {
    %eq3A = arith.constant 0 : i32
    %eq3A_0 = arith.cmpi eq, %arg1, %eq3A : i32
    %convert_element_type3A = arith.extui %eq3A_0 : i1 to i32
    %cond3A = arith.constant 0 : i32
    %cond3A_1 = arith.cmpi ne, %convert_element_type3A, %cond3A : i32
    scf.if %cond3A_1 {
      %get3A_401 = arith.constant 0 : index
      %get3A_402 = arith.constant 0 : index
      %get3A_403 = vector.load %arg4[%get3A_401, %get3A_402] : memref<2048x256xf32, #tpu.memory_space<vmem>>, vector<2048x256xf32>
      %mul3A_404 = arith.constant -2.000000e+00 : f32
      %mul3A_405 = vector.broadcast %mul3A_404 : f32 to vector<2048x256xf32>
      %mul3A_406 = arith.mulf %get3A_403, %mul3A_405 : vector<2048x256xf32>
      %swap3A_407 = arith.constant 0 : index
      %swap3A_408 = arith.constant 0 : index
      %swap3A_409 = vector.load %arg7[%swap3A_407, %swap3A_408] : memref<2048x256xf32, #tpu.memory_space<vmem>>, vector<2048x256xf32>
      tpu.vector_store %arg7[%swap3A_407, %swap3A_408], %mul3A_406 {strides = array<i32>} : memref<2048x256xf32, #tpu.memory_space<vmem>>, vector<2048x256xf32>,
      %broadcast_in_dim3A_410 = arith.constant 0x7F800000 : f32
      %broadcast_in_dim3A_411 = vector.broadcast %broadcast_in_dim3A_410 : f32 to vector<2048x1xf32>
      %swap3A_412 = arith.constant 0 : index
      %swap3A_413 = arith.constant 0 : index
      %swap3A_414 = vector.load %arg8[%swap3A_412, %swap3A_413] : memref<2048x1xf32, #tpu.memory_space<vmem>>, vector<2048x1xf32>
      tpu.vector_store %arg8[%swap3A_412, %swap3A_413], %broadcast_in_dim3A_411 {strides = array<i32>} : memref<2048x1xf32, #tpu.memory_space<vmem>>, vector<2048x1xf32>,
      %broadcast_in_dim3A_415 = arith.constant 0.000000e+00 : f32
      %broadcast_in_dim3A_416 = vector.broadcast %broadcast_in_dim3A_415 : f32 to vector<2048x1xf32>
      %swap3A_417 = arith.constant 0 : index
      %swap3A_418 = arith.constant 0 : index
      %swap3A_419 = vector.load %arg9[%swap3A_417, %swap3A_418] : memref<2048x1xf32, #tpu.memory_space<vmem>>, vector<2048x1xf32>
      tpu.vector_store %arg9[%swap3A_417, %swap3A_418], %broadcast_in_dim3A_416 {strides = array<i32>} : memref<2048x1xf32, #tpu.memory_space<vmem>>, vector<2048x1xf32>,
      %broadcast_in_dim3A_420 = arith.constant 0x7F800000 : f32
      %broadcast_in_dim3A_421 = vector.broadcast %broadcast_in_dim3A_420 : f32 to vector<2048x1xf32>
      %swap3A_422 = arith.constant 0 : index
      %swap3A_423 = arith.constant 0 : index
      %swap3A_424 = vector.load %arg10[%swap3A_422, %swap3A_423] : memref<2048x1xf32, #tpu.memory_space<vmem>>, vector<2048x1xf32>
      tpu.vector_store %arg10[%swap3A_422, %swap3A_423], %broadcast_in_dim3A_421 {strides = array<i32>} : memref<2048x1xf32, #tpu.memory_space<vmem>>, vector<2048x1xf32>,
      %broadcast_in_dim3A_425 = arith.constant 0.000000e+00 : f32
      %broadcast_in_dim3A_426 = vector.broadcast %broadcast_in_dim3A_425 : f32 to vector<2048x1xf32>
      %swap3A_427 = arith.constant 0 : index
      %swap3A_428 = arith.constant 0 : index
      %swap3A_429 = vector.load %arg11[%swap3A_427, %swap3A_428] : memref<2048x1xf32, #tpu.memory_space<vmem>>, vector<2048x1xf32>
      tpu.vector_store %arg11[%swap3A_427, %swap3A_428], %broadcast_in_dim3A_426 {strides = array<i32>} : memref<2048x1xf32, #tpu.memory_space<vmem>>, vector<2048x1xf32>,
    } else {
    }
    %get3A = arith.constant 0 : index
    %get3A_2 = arith.constant 0 : index
    %get3A_3 = vector.load %arg7[%get3A, %get3A_2] : memref<2048x256xf32, #tpu.memory_space<vmem>>, vector<2048x256xf32>
    %get3A_4 = arith.constant 0 : index
    %get3A_5 = arith.constant 0 : index
    %get3A_6 = vector.load %arg5[%get3A_4, %get3A_5] : memref<256x4096xf32, #tpu.memory_space<vmem>>, vector<256x4096xf32>
    %dot_general3A = arith.constant dense<0.000000e+00> : vector<2048x4096xf32>
    %dot_general3A_7 = tpu.matmul %get3A_3, %get3A_6, %dot_general3A {dimension_numbers = #tpu.dot_dimension_numbers<[1], [0], [0], [1], [0, 0, 1, 1], [], []>, transpose_lhs_hint = false} : vector<2048x256xf32>, vector<256x4096xf32>, vector<2048x4096xf32> -> vector<2048x4096xf32>
    %get3A_8 = arith.constant 0 : index
    %get3A_9 = arith.constant 0 : index
    %get3A_10 = vector.load %arg2[%get3A_8, %get3A_9] : memref<2048x1xf32, #tpu.memory_space<vmem>>, vector<2048x1xf32>
    %add3A = vector.broadcast %get3A_10 : vector<2048x1xf32> to vector<2048x4096xf32>
    %add3A_11 = arith.addf %add3A, %dot_general3A_7 : vector<2048x4096xf32>
    %get3A_12 = arith.constant 0 : index
    %get3A_13 = arith.constant 0 : index
    %get3A_14 = vector.load %arg3[%get3A_12, %get3A_13] : memref<1x4096xf32, #tpu.memory_space<vmem>>, vector<1x4096xf32>
    %add3A_15 = vector.broadcast %get3A_14 : vector<1x4096xf32> to vector<2048x4096xf32>
    %add3A_16 = arith.addf %add3A_11, %add3A_15 : vector<2048x4096xf32>
    %iota3A = tpu.iota {dimensions = array<i32: 1>} : vector<2048x128xi32>
    %convert_element_type3A_17 = arith.sitofp %iota3A : vector<2048x128xi32> to vector<2048x128xf32>
    %slice3A = vector.extract_strided_slice %add3A_16 {offsets = [0, 0], sizes = [2048, 128], strides = [1, 1]} : vector<2048x4096xf32> to vector<2048x128xf32>
    %mul3A = arith.constant 4096 : i32
    %mul3A_18 = arith.muli %arg1, %mul3A : i32
    %convert_element_type3A_19 = arith.sitofp %mul3A_18 : i32 to f32
    %add3A_20 = vector.broadcast %convert_element_type3A_19 : f32 to vector<2048x128xf32>
    %add3A_21 = arith.addf %convert_element_type3A_17, %add3A_20 : vector<2048x128xf32>
    %slice3A_22 = vector.extract_strided_slice %add3A_16 {offsets = [0, 128], sizes = [2048, 128], strides = [1, 1]} : vector<2048x4096xf32> to vector<2048x128xf32>
    %lt3A = arith.cmpf olt, %slice3A_22, %slice3A : vector<2048x128xf32>
    %select_n3A = arith.select %lt3A, %slice3A_22, %slice3A : vector<2048x128xi1>, vector<2048x128xf32>
    %mul3A_23 = arith.constant 4096 : i32
    %mul3A_24 = arith.muli %arg1, %mul3A_23 : i32
    %add3A_25 = arith.constant 128 : i32
    %add3A_26 = arith.addi %mul3A_24, %add3A_25 : i32
    %convert_element_type3A_27 = arith.sitofp %add3A_26 : i32 to f32
    %add3A_28 = vector.broadcast %convert_element_type3A_27 : f32 to vector<2048x128xf32>
    %add3A_29 = arith.addf %convert_element_type3A_17, %add3A_28 : vector<2048x128xf32>
    %select_n3A_30 = arith.select %lt3A, %add3A_29, %add3A_21 : vector<2048x128xi1>, vector<2048x128xf32>
    %slice3A_31 = vector.extract_strided_slice %add3A_16 {offsets = [0, 256], sizes = [2048, 128], strides = [1, 1]} : vector<2048x4096xf32> to vector<2048x128xf32>
    %lt3A_32 = arith.cmpf olt, %slice3A_31, %select_n3A : vector<2048x128xf32>
    %select_n3A_33 = arith.select %lt3A_32, %slice3A_31, %select_n3A : vector<2048x128xi1>, vector<2048x128xf32>
    %mul3A_34 = arith.constant 4096 : i32
    %mul3A_35 = arith.muli %arg1, %mul3A_34 : i32
    %add3A_36 = arith.constant 256 : i32
    %add3A_37 = arith.addi %mul3A_35, %add3A_36 : i32
    %convert_element_type3A_38 = arith.sitofp %add3A_37 : i32 to f32
    %add3A_39 = vector.broadcast %convert_element_type3A_38 : f32 to vector<2048x128xf32>
    %add3A_40 = arith.addf %convert_element_type3A_17, %add3A_39 : vector<2048x128xf32>
    %select_n3A_41 = arith.select %lt3A_32, %add3A_40, %select_n3A_30 : vector<2048x128xi1>, vector<2048x128xf32>
    %slice3A_42 = vector.extract_strided_slice %add3A_16 {offsets = [0, 384], sizes = [2048, 128], strides = [1, 1]} : vector<2048x4096xf32> to vector<2048x128xf32>
    %lt3A_43 = arith.cmpf olt, %slice3A_42, %select_n3A_33 : vector<2048x128xf32>
    %select_n3A_44 = arith.select %lt3A_43, %slice3A_42, %select_n3A_33 : vector<2048x128xi1>, vector<2048x128xf32>
    %mul3A_45 = arith.constant 4096 : i32
    %mul3A_46 = arith.muli %arg1, %mul3A_45 : i32
    %add3A_47 = arith.constant 384 : i32
    %add3A_48 = arith.addi %mul3A_46, %add3A_47 : i32
    %convert_element_type3A_49 = arith.sitofp %add3A_48 : i32 to f32
    %add3A_50 = vector.broadcast %convert_element_type3A_49 : f32 to vector<2048x128xf32>
    %add3A_51 = arith.addf %convert_element_type3A_17, %add3A_50 : vector<2048x128xf32>
    %select_n3A_52 = arith.select %lt3A_43, %add3A_51, %select_n3A_41 : vector<2048x128xi1>, vector<2048x128xf32>
    %slice3A_53 = vector.extract_strided_slice %add3A_16 {offsets = [0, 512], sizes = [2048, 128], strides = [1, 1]} : vector<2048x4096xf32> to vector<2048x128xf32>
    %lt3A_54 = arith.cmpf olt, %slice3A_53, %select_n3A_44 : vector<2048x128xf32>
    %select_n3A_55 = arith.select %lt3A_54, %slice3A_53, %select_n3A_44 : vector<2048x128xi1>, vector<2048x128xf32>
    %mul3A_56 = arith.constant 4096 : i32
    %mul3A_57 = arith.muli %arg1, %mul3A_56 : i32
    %add3A_58 = arith.constant 512 : i32
    %add3A_59 = arith.addi %mul3A_57, %add3A_58 : i32
    %convert_element_type3A_60 = arith.sitofp %add3A_59 : i32 to f32
    %add3A_61 = vector.broadcast %convert_element_type3A_60 : f32 to vector<2048x128xf32>
    %add3A_62 = arith.addf %convert_element_type3A_17, %add3A_61 : vector<2048x128xf32>
    %select_n3A_63 = arith.select %lt3A_54, %add3A_62, %select_n3A_52 : vector<2048x128xi1>, vector<2048x128xf32>
    %slice3A_64 = vector.extract_strided_slice %add3A_16 {offsets = [0, 640], sizes = [2048, 128], strides = [1, 1]} : vector<2048x4096xf32> to vector<2048x128xf32>
    %lt3A_65 = arith.cmpf olt, %slice3A_64, %select_n3A_55 : vector<2048x128xf32>
    %select_n3A_66 = arith.select %lt3A_65, %slice3A_64, %select_n3A_55 : vector<2048x128xi1>, vector<2048x128xf32>
    %mul3A_67 = arith.constant 4096 : i32
    %mul3A_68 = arith.muli %arg1, %mul3A_67 : i32
    %add3A_69 = arith.constant 640 : i32
    %add3A_70 = arith.addi %mul3A_68, %add3A_69 : i32
    %convert_element_type3A_71 = arith.sitofp %add3A_70 : i32 to f32
    %add3A_72 = vector.broadcast %convert_element_type3A_71 : f32 to vector<2048x128xf32>
    %add3A_73 = arith.addf %convert_element_type3A_17, %add3A_72 : vector<2048x128xf32>
    %select_n3A_74 = arith.select %lt3A_65, %add3A_73, %select_n3A_63 : vector<2048x128xi1>, vector<2048x128xf32>
    %slice3A_75 = vector.extract_strided_slice %add3A_16 {offsets = [0, 768], sizes = [2048, 128], strides = [1, 1]} : vector<2048x4096xf32> to vector<2048x128xf32>
    %lt3A_76 = arith.cmpf olt, %slice3A_75, %select_n3A_66 : vector<2048x128xf32>
    %select_n3A_77 = arith.select %lt3A_76, %slice3A_75, %select_n3A_66 : vector<2048x128xi1>, vector<2048x128xf32>
    %mul3A_78 = arith.constant 4096 : i32
    %mul3A_79 = arith.muli %arg1, %mul3A_78 : i32
    %add3A_80 = arith.constant 768 : i32
    %add3A_81 = arith.addi %mul3A_79, %add3A_80 : i32
    %convert_element_type3A_82 = arith.sitofp %add3A_81 : i32 to f32
    %add3A_83 = vector.broadcast %convert_element_type3A_82 : f32 to vector<2048x128xf32>
    %add3A_84 = arith.addf %convert_element_type3A_17, %add3A_83 : vector<2048x128xf32>
    %select_n3A_85 = arith.select %lt3A_76, %add3A_84, %select_n3A_74 : vector<2048x128xi1>, vector<2048x128xf32>
    %slice3A_86 = vector.extract_strided_slice %add3A_16 {offsets = [0, 896], sizes = [2048, 128], strides = [1, 1]} : vector<2048x4096xf32> to vector<2048x128xf32>
    %lt3A_87 = arith.cmpf olt, %slice3A_86, %select_n3A_77 : vector<2048x128xf32>
    %select_n3A_88 = arith.select %lt3A_87, %slice3A_86, %select_n3A_77 : vector<2048x128xi1>, vector<2048x128xf32>
    %mul3A_89 = arith.constant 4096 : i32
    %mul3A_90 = arith.muli %arg1, %mul3A_89 : i32
    %add3A_91 = arith.constant 896 : i32
    %add3A_92 = arith.addi %mul3A_90, %add3A_91 : i32
    %convert_element_type3A_93 = arith.sitofp %add3A_92 : i32 to f32
    %add3A_94 = vector.broadcast %convert_element_type3A_93 : f32 to vector<2048x128xf32>
    %add3A_95 = arith.addf %convert_element_type3A_17, %add3A_94 : vector<2048x128xf32>
    %select_n3A_96 = arith.select %lt3A_87, %add3A_95, %select_n3A_85 : vector<2048x128xi1>, vector<2048x128xf32>
    %slice3A_97 = vector.extract_strided_slice %add3A_16 {offsets = [0, 1024], sizes = [2048, 128], strides = [1, 1]} : vector<2048x4096xf32> to vector<2048x128xf32>
    %lt3A_98 = arith.cmpf olt, %slice3A_97, %select_n3A_88 : vector<2048x128xf32>
    %select_n3A_99 = arith.select %lt3A_98, %slice3A_97, %select_n3A_88 : vector<2048x128xi1>, vector<2048x128xf32>
    %mul3A_100 = arith.constant 4096 : i32
    %mul3A_101 = arith.muli %arg1, %mul3A_100 : i32
    %add3A_102 = arith.constant 1024 : i32
    %add3A_103 = arith.addi %mul3A_101, %add3A_102 : i32
    %convert_element_type3A_104 = arith.sitofp %add3A_103 : i32 to f32
    %add3A_105 = vector.broadcast %convert_element_type3A_104 : f32 to vector<2048x128xf32>
    %add3A_106 = arith.addf %convert_element_type3A_17, %add3A_105 : vector<2048x128xf32>
    %select_n3A_107 = arith.select %lt3A_98, %add3A_106, %select_n3A_96 : vector<2048x128xi1>, vector<2048x128xf32>
    %slice3A_108 = vector.extract_strided_slice %add3A_16 {offsets = [0, 1152], sizes = [2048, 128], strides = [1, 1]} : vector<2048x4096xf32> to vector<2048x128xf32>
    %lt3A_109 = arith.cmpf olt, %slice3A_108, %select_n3A_99 : vector<2048x128xf32>
    %select_n3A_110 = arith.select %lt3A_109, %slice3A_108, %select_n3A_99 : vector<2048x128xi1>, vector<2048x128xf32>
    %mul3A_111 = arith.constant 4096 : i32
    %mul3A_112 = arith.muli %arg1, %mul3A_111 : i32
    %add3A_113 = arith.constant 1152 : i32
    %add3A_114 = arith.addi %mul3A_112, %add3A_113 : i32
    %convert_element_type3A_115 = arith.sitofp %add3A_114 : i32 to f32
    %add3A_116 = vector.broadcast %convert_element_type3A_115 : f32 to vector<2048x128xf32>
    %add3A_117 = arith.addf %convert_element_type3A_17, %add3A_116 : vector<2048x128xf32>
    %select_n3A_118 = arith.select %lt3A_109, %add3A_117, %select_n3A_107 : vector<2048x128xi1>, vector<2048x128xf32>
    %slice3A_119 = vector.extract_strided_slice %add3A_16 {offsets = [0, 1280], sizes = [2048, 128], strides = [1, 1]} : vector<2048x4096xf32> to vector<2048x128xf32>
    %lt3A_120 = arith.cmpf olt, %slice3A_119, %select_n3A_110 : vector<2048x128xf32>
    %select_n3A_121 = arith.select %lt3A_120, %slice3A_119, %select_n3A_110 : vector<2048x128xi1>, vector<2048x128xf32>
    %mul3A_122 = arith.constant 4096 : i32
    %mul3A_123 = arith.muli %arg1, %mul3A_122 : i32
    %add3A_124 = arith.constant 1280 : i32
    %add3A_125 = arith.addi %mul3A_123, %add3A_124 : i32
    %convert_element_type3A_126 = arith.sitofp %add3A_125 : i32 to f32
    %add3A_127 = vector.broadcast %convert_element_type3A_126 : f32 to vector<2048x128xf32>
    %add3A_128 = arith.addf %convert_element_type3A_17, %add3A_127 : vector<2048x128xf32>
    %select_n3A_129 = arith.select %lt3A_120, %add3A_128, %select_n3A_118 : vector<2048x128xi1>, vector<2048x128xf32>
    %slice3A_130 = vector.extract_strided_slice %add3A_16 {offsets = [0, 1408], sizes = [2048, 128], strides = [1, 1]} : vector<2048x4096xf32> to vector<2048x128xf32>
    %lt3A_131 = arith.cmpf olt, %slice3A_130, %select_n3A_121 : vector<2048x128xf32>
    %select_n3A_132 = arith.select %lt3A_131, %slice3A_130, %select_n3A_121 : vector<2048x128xi1>, vector<2048x128xf32>
    %mul3A_133 = arith.constant 4096 : i32
    %mul3A_134 = arith.muli %arg1, %mul3A_133 : i32
    %add3A_135 = arith.constant 1408 : i32
    %add3A_136 = arith.addi %mul3A_134, %add3A_135 : i32
    %convert_element_type3A_137 = arith.sitofp %add3A_136 : i32 to f32
    %add3A_138 = vector.broadcast %convert_element_type3A_137 : f32 to vector<2048x128xf32>
    %add3A_139 = arith.addf %convert_element_type3A_17, %add3A_138 : vector<2048x128xf32>
    %select_n3A_140 = arith.select %lt3A_131, %add3A_139, %select_n3A_129 : vector<2048x128xi1>, vector<2048x128xf32>
    %slice3A_141 = vector.extract_strided_slice %add3A_16 {offsets = [0, 1536], sizes = [2048, 128], strides = [1, 1]} : vector<2048x4096xf32> to vector<2048x128xf32>
    %lt3A_142 = arith.cmpf olt, %slice3A_141, %select_n3A_132 : vector<2048x128xf32>
    %select_n3A_143 = arith.select %lt3A_142, %slice3A_141, %select_n3A_132 : vector<2048x128xi1>, vector<2048x128xf32>
    %mul3A_144 = arith.constant 4096 : i32
    %mul3A_145 = arith.muli %arg1, %mul3A_144 : i32
    %add3A_146 = arith.constant 1536 : i32
    %add3A_147 = arith.addi %mul3A_145, %add3A_146 : i32
    %convert_element_type3A_148 = arith.sitofp %add3A_147 : i32 to f32
    %add3A_149 = vector.broadcast %convert_element_type3A_148 : f32 to vector<2048x128xf32>
    %add3A_150 = arith.addf %convert_element_type3A_17, %add3A_149 : vector<2048x128xf32>
    %select_n3A_151 = arith.select %lt3A_142, %add3A_150, %select_n3A_140 : vector<2048x128xi1>, vector<2048x128xf32>
    %slice3A_152 = vector.extract_strided_slice %add3A_16 {offsets = [0, 1664], sizes = [2048, 128], strides = [1, 1]} : vector<2048x4096xf32> to vector<2048x128xf32>
    %lt3A_153 = arith.cmpf olt, %slice3A_152, %select_n3A_143 : vector<2048x128xf32>
    %select_n3A_154 = arith.select %lt3A_153, %slice3A_152, %select_n3A_143 : vector<2048x128xi1>, vector<2048x128xf32>
    %mul3A_155 = arith.constant 4096 : i32
    %mul3A_156 = arith.muli %arg1, %mul3A_155 : i32
    %add3A_157 = arith.constant 1664 : i32
    %add3A_158 = arith.addi %mul3A_156, %add3A_157 : i32
    %convert_element_type3A_159 = arith.sitofp %add3A_158 : i32 to f32
    %add3A_160 = vector.broadcast %convert_element_type3A_159 : f32 to vector<2048x128xf32>
    %add3A_161 = arith.addf %convert_element_type3A_17, %add3A_160 : vector<2048x128xf32>
    %select_n3A_162 = arith.select %lt3A_153, %add3A_161, %select_n3A_151 : vector<2048x128xi1>, vector<2048x128xf32>
    %slice3A_163 = vector.extract_strided_slice %add3A_16 {offsets = [0, 1792], sizes = [2048, 128], strides = [1, 1]} : vector<2048x4096xf32> to vector<2048x128xf32>
    %lt3A_164 = arith.cmpf olt, %slice3A_163, %select_n3A_154 : vector<2048x128xf32>
    %select_n3A_165 = arith.select %lt3A_164, %slice3A_163, %select_n3A_154 : vector<2048x128xi1>, vector<2048x128xf32>
    %mul3A_166 = arith.constant 4096 : i32
    %mul3A_167 = arith.muli %arg1, %mul3A_166 : i32
    %add3A_168 = arith.constant 1792 : i32
    %add3A_169 = arith.addi %mul3A_167, %add3A_168 : i32
    %convert_element_type3A_170 = arith.sitofp %add3A_169 : i32 to f32
    %add3A_171 = vector.broadcast %convert_element_type3A_170 : f32 to vector<2048x128xf32>
    %add3A_172 = arith.addf %convert_element_type3A_17, %add3A_171 : vector<2048x128xf32>
    %select_n3A_173 = arith.select %lt3A_164, %add3A_172, %select_n3A_162 : vector<2048x128xi1>, vector<2048x128xf32>
    %slice3A_174 = vector.extract_strided_slice %add3A_16 {offsets = [0, 1920], sizes = [2048, 128], strides = [1, 1]} : vector<2048x4096xf32> to vector<2048x128xf32>
    %lt3A_175 = arith.cmpf olt, %slice3A_174, %select_n3A_165 : vector<2048x128xf32>
    %select_n3A_176 = arith.select %lt3A_175, %slice3A_174, %select_n3A_165 : vector<2048x128xi1>, vector<2048x128xf32>
    %mul3A_177 = arith.constant 4096 : i32
    %mul3A_178 = arith.muli %arg1, %mul3A_177 : i32
    %add3A_179 = arith.constant 1920 : i32
    %add3A_180 = arith.addi %mul3A_178, %add3A_179 : i32
    %convert_element_type3A_181 = arith.sitofp %add3A_180 : i32 to f32
    %add3A_182 = vector.broadcast %convert_element_type3A_181 : f32 to vector<2048x128xf32>
    %add3A_183 = arith.addf %convert_element_type3A_17, %add3A_182 : vector<2048x128xf32>
    %select_n3A_184 = arith.select %lt3A_175, %add3A_183, %select_n3A_173 : vector<2048x128xi1>, vector<2048x128xf32>
    %slice3A_185 = vector.extract_strided_slice %add3A_16 {offsets = [0, 2048], sizes = [2048, 128], strides = [1, 1]} : vector<2048x4096xf32> to vector<2048x128xf32>
    %lt3A_186 = arith.cmpf olt, %slice3A_185, %select_n3A_176 : vector<2048x128xf32>
    %select_n3A_187 = arith.select %lt3A_186, %slice3A_185, %select_n3A_176 : vector<2048x128xi1>, vector<2048x128xf32>
    %mul3A_188 = arith.constant 4096 : i32
    %mul3A_189 = arith.muli %arg1, %mul3A_188 : i32
    %add3A_190 = arith.constant 2048 : i32
    %add3A_191 = arith.addi %mul3A_189, %add3A_190 : i32
    %convert_element_type3A_192 = arith.sitofp %add3A_191 : i32 to f32
    %add3A_193 = vector.broadcast %convert_element_type3A_192 : f32 to vector<2048x128xf32>
    %add3A_194 = arith.addf %convert_element_type3A_17, %add3A_193 : vector<2048x128xf32>
    %select_n3A_195 = arith.select %lt3A_186, %add3A_194, %select_n3A_184 : vector<2048x128xi1>, vector<2048x128xf32>
    %slice3A_196 = vector.extract_strided_slice %add3A_16 {offsets = [0, 2176], sizes = [2048, 128], strides = [1, 1]} : vector<2048x4096xf32> to vector<2048x128xf32>
    %lt3A_197 = arith.cmpf olt, %slice3A_196, %select_n3A_187 : vector<2048x128xf32>
    %select_n3A_198 = arith.select %lt3A_197, %slice3A_196, %select_n3A_187 : vector<2048x128xi1>, vector<2048x128xf32>
    %mul3A_199 = arith.constant 4096 : i32
    %mul3A_200 = arith.muli %arg1, %mul3A_199 : i32
    %add3A_201 = arith.constant 2176 : i32
    %add3A_202 = arith.addi %mul3A_200, %add3A_201 : i32
    %convert_element_type3A_203 = arith.sitofp %add3A_202 : i32 to f32
    %add3A_204 = vector.broadcast %convert_element_type3A_203 : f32 to vector<2048x128xf32>
    %add3A_205 = arith.addf %convert_element_type3A_17, %add3A_204 : vector<2048x128xf32>
    %select_n3A_206 = arith.select %lt3A_197, %add3A_205, %select_n3A_195 : vector<2048x128xi1>, vector<2048x128xf32>
    %slice3A_207 = vector.extract_strided_slice %add3A_16 {offsets = [0, 2304], sizes = [2048, 128], strides = [1, 1]} : vector<2048x4096xf32> to vector<2048x128xf32>
    %lt3A_208 = arith.cmpf olt, %slice3A_207, %select_n3A_198 : vector<2048x128xf32>
    %select_n3A_209 = arith.select %lt3A_208, %slice3A_207, %select_n3A_198 : vector<2048x128xi1>, vector<2048x128xf32>
    %mul3A_210 = arith.constant 4096 : i32
    %mul3A_211 = arith.muli %arg1, %mul3A_210 : i32
    %add3A_212 = arith.constant 2304 : i32
    %add3A_213 = arith.addi %mul3A_211, %add3A_212 : i32
    %convert_element_type3A_214 = arith.sitofp %add3A_213 : i32 to f32
    %add3A_215 = vector.broadcast %convert_element_type3A_214 : f32 to vector<2048x128xf32>
    %add3A_216 = arith.addf %convert_element_type3A_17, %add3A_215 : vector<2048x128xf32>
    %select_n3A_217 = arith.select %lt3A_208, %add3A_216, %select_n3A_206 : vector<2048x128xi1>, vector<2048x128xf32>
    %slice3A_218 = vector.extract_strided_slice %add3A_16 {offsets = [0, 2432], sizes = [2048, 128], strides = [1, 1]} : vector<2048x4096xf32> to vector<2048x128xf32>
    %lt3A_219 = arith.cmpf olt, %slice3A_218, %select_n3A_209 : vector<2048x128xf32>
    %select_n3A_220 = arith.select %lt3A_219, %slice3A_218, %select_n3A_209 : vector<2048x128xi1>, vector<2048x128xf32>
    %mul3A_221 = arith.constant 4096 : i32
    %mul3A_222 = arith.muli %arg1, %mul3A_221 : i32
    %add3A_223 = arith.constant 2432 : i32
    %add3A_224 = arith.addi %mul3A_222, %add3A_223 : i32
    %convert_element_type3A_225 = arith.sitofp %add3A_224 : i32 to f32
    %add3A_226 = vector.broadcast %convert_element_type3A_225 : f32 to vector<2048x128xf32>
    %add3A_227 = arith.addf %convert_element_type3A_17, %add3A_226 : vector<2048x128xf32>
    %select_n3A_228 = arith.select %lt3A_219, %add3A_227, %select_n3A_217 : vector<2048x128xi1>, vector<2048x128xf32>
    %slice3A_229 = vector.extract_strided_slice %add3A_16 {offsets = [0, 2560], sizes = [2048, 128], strides = [1, 1]} : vector<2048x4096xf32> to vector<2048x128xf32>
    %lt3A_230 = arith.cmpf olt, %slice3A_229, %select_n3A_220 : vector<2048x128xf32>
    %select_n3A_231 = arith.select %lt3A_230, %slice3A_229, %select_n3A_220 : vector<2048x128xi1>, vector<2048x128xf32>
    %mul3A_232 = arith.constant 4096 : i32
    %mul3A_233 = arith.muli %arg1, %mul3A_232 : i32
    %add3A_234 = arith.constant 2560 : i32
    %add3A_235 = arith.addi %mul3A_233, %add3A_234 : i32
    %convert_element_type3A_236 = arith.sitofp %add3A_235 : i32 to f32
    %add3A_237 = vector.broadcast %convert_element_type3A_236 : f32 to vector<2048x128xf32>
    %add3A_238 = arith.addf %convert_element_type3A_17, %add3A_237 : vector<2048x128xf32>
    %select_n3A_239 = arith.select %lt3A_230, %add3A_238, %select_n3A_228 : vector<2048x128xi1>, vector<2048x128xf32>
    %slice3A_240 = vector.extract_strided_slice %add3A_16 {offsets = [0, 2688], sizes = [2048, 128], strides = [1, 1]} : vector<2048x4096xf32> to vector<2048x128xf32>
    %lt3A_241 = arith.cmpf olt, %slice3A_240, %select_n3A_231 : vector<2048x128xf32>
    %select_n3A_242 = arith.select %lt3A_241, %slice3A_240, %select_n3A_231 : vector<2048x128xi1>, vector<2048x128xf32>
    %mul3A_243 = arith.constant 4096 : i32
    %mul3A_244 = arith.muli %arg1, %mul3A_243 : i32
    %add3A_245 = arith.constant 2688 : i32
    %add3A_246 = arith.addi %mul3A_244, %add3A_245 : i32
    %convert_element_type3A_247 = arith.sitofp %add3A_246 : i32 to f32
    %add3A_248 = vector.broadcast %convert_element_type3A_247 : f32 to vector<2048x128xf32>
    %add3A_249 = arith.addf %convert_element_type3A_17, %add3A_248 : vector<2048x128xf32>
    %select_n3A_250 = arith.select %lt3A_241, %add3A_249, %select_n3A_239 : vector<2048x128xi1>, vector<2048x128xf32>
    %slice3A_251 = vector.extract_strided_slice %add3A_16 {offsets = [0, 2816], sizes = [2048, 128], strides = [1, 1]} : vector<2048x4096xf32> to vector<2048x128xf32>
    %lt3A_252 = arith.cmpf olt, %slice3A_251, %select_n3A_242 : vector<2048x128xf32>
    %select_n3A_253 = arith.select %lt3A_252, %slice3A_251, %select_n3A_242 : vector<2048x128xi1>, vector<2048x128xf32>
    %mul3A_254 = arith.constant 4096 : i32
    %mul3A_255 = arith.muli %arg1, %mul3A_254 : i32
    %add3A_256 = arith.constant 2816 : i32
    %add3A_257 = arith.addi %mul3A_255, %add3A_256 : i32
    %convert_element_type3A_258 = arith.sitofp %add3A_257 : i32 to f32
    %add3A_259 = vector.broadcast %convert_element_type3A_258 : f32 to vector<2048x128xf32>
    %add3A_260 = arith.addf %convert_element_type3A_17, %add3A_259 : vector<2048x128xf32>
    %select_n3A_261 = arith.select %lt3A_252, %add3A_260, %select_n3A_250 : vector<2048x128xi1>, vector<2048x128xf32>
    %slice3A_262 = vector.extract_strided_slice %add3A_16 {offsets = [0, 2944], sizes = [2048, 128], strides = [1, 1]} : vector<2048x4096xf32> to vector<2048x128xf32>
    %lt3A_263 = arith.cmpf olt, %slice3A_262, %select_n3A_253 : vector<2048x128xf32>
    %select_n3A_264 = arith.select %lt3A_263, %slice3A_262, %select_n3A_253 : vector<2048x128xi1>, vector<2048x128xf32>
    %mul3A_265 = arith.constant 4096 : i32
    %mul3A_266 = arith.muli %arg1, %mul3A_265 : i32
    %add3A_267 = arith.constant 2944 : i32
    %add3A_268 = arith.addi %mul3A_266, %add3A_267 : i32
    %convert_element_type3A_269 = arith.sitofp %add3A_268 : i32 to f32
    %add3A_270 = vector.broadcast %convert_element_type3A_269 : f32 to vector<2048x128xf32>
    %add3A_271 = arith.addf %convert_element_type3A_17, %add3A_270 : vector<2048x128xf32>
    %select_n3A_272 = arith.select %lt3A_263, %add3A_271, %select_n3A_261 : vector<2048x128xi1>, vector<2048x128xf32>
    %slice3A_273 = vector.extract_strided_slice %add3A_16 {offsets = [0, 3072], sizes = [2048, 128], strides = [1, 1]} : vector<2048x4096xf32> to vector<2048x128xf32>
    %lt3A_274 = arith.cmpf olt, %slice3A_273, %select_n3A_264 : vector<2048x128xf32>
    %select_n3A_275 = arith.select %lt3A_274, %slice3A_273, %select_n3A_264 : vector<2048x128xi1>, vector<2048x128xf32>
    %mul3A_276 = arith.constant 4096 : i32
    %mul3A_277 = arith.muli %arg1, %mul3A_276 : i32
    %add3A_278 = arith.constant 3072 : i32
    %add3A_279 = arith.addi %mul3A_277, %add3A_278 : i32
    %convert_element_type3A_280 = arith.sitofp %add3A_279 : i32 to f32
    %add3A_281 = vector.broadcast %convert_element_type3A_280 : f32 to vector<2048x128xf32>
    %add3A_282 = arith.addf %convert_element_type3A_17, %add3A_281 : vector<2048x128xf32>
    %select_n3A_283 = arith.select %lt3A_274, %add3A_282, %select_n3A_272 : vector<2048x128xi1>, vector<2048x128xf32>
    %slice3A_284 = vector.extract_strided_slice %add3A_16 {offsets = [0, 3200], sizes = [2048, 128], strides = [1, 1]} : vector<2048x4096xf32> to vector<2048x128xf32>
    %lt3A_285 = arith.cmpf olt, %slice3A_284, %select_n3A_275 : vector<2048x128xf32>
    %select_n3A_286 = arith.select %lt3A_285, %slice3A_284, %select_n3A_275 : vector<2048x128xi1>, vector<2048x128xf32>
    %mul3A_287 = arith.constant 4096 : i32
    %mul3A_288 = arith.muli %arg1, %mul3A_287 : i32
    %add3A_289 = arith.constant 3200 : i32
    %add3A_290 = arith.addi %mul3A_288, %add3A_289 : i32
    %convert_element_type3A_291 = arith.sitofp %add3A_290 : i32 to f32
    %add3A_292 = vector.broadcast %convert_element_type3A_291 : f32 to vector<2048x128xf32>
    %add3A_293 = arith.addf %convert_element_type3A_17, %add3A_292 : vector<2048x128xf32>
    %select_n3A_294 = arith.select %lt3A_285, %add3A_293, %select_n3A_283 : vector<2048x128xi1>, vector<2048x128xf32>
    %slice3A_295 = vector.extract_strided_slice %add3A_16 {offsets = [0, 3328], sizes = [2048, 128], strides = [1, 1]} : vector<2048x4096xf32> to vector<2048x128xf32>
    %lt3A_296 = arith.cmpf olt, %slice3A_295, %select_n3A_286 : vector<2048x128xf32>
    %select_n3A_297 = arith.select %lt3A_296, %slice3A_295, %select_n3A_286 : vector<2048x128xi1>, vector<2048x128xf32>
    %mul3A_298 = arith.constant 4096 : i32
    %mul3A_299 = arith.muli %arg1, %mul3A_298 : i32
    %add3A_300 = arith.constant 3328 : i32
    %add3A_301 = arith.addi %mul3A_299, %add3A_300 : i32
    %convert_element_type3A_302 = arith.sitofp %add3A_301 : i32 to f32
    %add3A_303 = vector.broadcast %convert_element_type3A_302 : f32 to vector<2048x128xf32>
    %add3A_304 = arith.addf %convert_element_type3A_17, %add3A_303 : vector<2048x128xf32>
    %select_n3A_305 = arith.select %lt3A_296, %add3A_304, %select_n3A_294 : vector<2048x128xi1>, vector<2048x128xf32>
    %slice3A_306 = vector.extract_strided_slice %add3A_16 {offsets = [0, 3456], sizes = [2048, 128], strides = [1, 1]} : vector<2048x4096xf32> to vector<2048x128xf32>
    %lt3A_307 = arith.cmpf olt, %slice3A_306, %select_n3A_297 : vector<2048x128xf32>
    %select_n3A_308 = arith.select %lt3A_307, %slice3A_306, %select_n3A_297 : vector<2048x128xi1>, vector<2048x128xf32>
    %mul3A_309 = arith.constant 4096 : i32
    %mul3A_310 = arith.muli %arg1, %mul3A_309 : i32
    %add3A_311 = arith.constant 3456 : i32
    %add3A_312 = arith.addi %mul3A_310, %add3A_311 : i32
    %convert_element_type3A_313 = arith.sitofp %add3A_312 : i32 to f32
    %add3A_314 = vector.broadcast %convert_element_type3A_313 : f32 to vector<2048x128xf32>
    %add3A_315 = arith.addf %convert_element_type3A_17, %add3A_314 : vector<2048x128xf32>
    %select_n3A_316 = arith.select %lt3A_307, %add3A_315, %select_n3A_305 : vector<2048x128xi1>, vector<2048x128xf32>
    %slice3A_317 = vector.extract_strided_slice %add3A_16 {offsets = [0, 3584], sizes = [2048, 128], strides = [1, 1]} : vector<2048x4096xf32> to vector<2048x128xf32>
    %lt3A_318 = arith.cmpf olt, %slice3A_317, %select_n3A_308 : vector<2048x128xf32>
    %select_n3A_319 = arith.select %lt3A_318, %slice3A_317, %select_n3A_308 : vector<2048x128xi1>, vector<2048x128xf32>
    %mul3A_320 = arith.constant 4096 : i32
    %mul3A_321 = arith.muli %arg1, %mul3A_320 : i32
    %add3A_322 = arith.constant 3584 : i32
    %add3A_323 = arith.addi %mul3A_321, %add3A_322 : i32
    %convert_element_type3A_324 = arith.sitofp %add3A_323 : i32 to f32
    %add3A_325 = vector.broadcast %convert_element_type3A_324 : f32 to vector<2048x128xf32>
    %add3A_326 = arith.addf %convert_element_type3A_17, %add3A_325 : vector<2048x128xf32>
    %select_n3A_327 = arith.select %lt3A_318, %add3A_326, %select_n3A_316 : vector<2048x128xi1>, vector<2048x128xf32>
    %slice3A_328 = vector.extract_strided_slice %add3A_16 {offsets = [0, 3712], sizes = [2048, 128], strides = [1, 1]} : vector<2048x4096xf32> to vector<2048x128xf32>
    %lt3A_329 = arith.cmpf olt, %slice3A_328, %select_n3A_319 : vector<2048x128xf32>
    %select_n3A_330 = arith.select %lt3A_329, %slice3A_328, %select_n3A_319 : vector<2048x128xi1>, vector<2048x128xf32>
    %mul3A_331 = arith.constant 4096 : i32
    %mul3A_332 = arith.muli %arg1, %mul3A_331 : i32
    %add3A_333 = arith.constant 3712 : i32
    %add3A_334 = arith.addi %mul3A_332, %add3A_333 : i32
    %convert_element_type3A_335 = arith.sitofp %add3A_334 : i32 to f32
    %add3A_336 = vector.broadcast %convert_element_type3A_335 : f32 to vector<2048x128xf32>
    %add3A_337 = arith.addf %convert_element_type3A_17, %add3A_336 : vector<2048x128xf32>
    %select_n3A_338 = arith.select %lt3A_329, %add3A_337, %select_n3A_327 : vector<2048x128xi1>, vector<2048x128xf32>
    %slice3A_339 = vector.extract_strided_slice %add3A_16 {offsets = [0, 3840], sizes = [2048, 128], strides = [1, 1]} : vector<2048x4096xf32> to vector<2048x128xf32>
    %lt3A_340 = arith.cmpf olt, %slice3A_339, %select_n3A_330 : vector<2048x128xf32>
    %select_n3A_341 = arith.select %lt3A_340, %slice3A_339, %select_n3A_330 : vector<2048x128xi1>, vector<2048x128xf32>
    %mul3A_342 = arith.constant 4096 : i32
    %mul3A_343 = arith.muli %arg1, %mul3A_342 : i32
    %add3A_344 = arith.constant 3840 : i32
    %add3A_345 = arith.addi %mul3A_343, %add3A_344 : i32
    %convert_element_type3A_346 = arith.sitofp %add3A_345 : i32 to f32
    %add3A_347 = vector.broadcast %convert_element_type3A_346 : f32 to vector<2048x128xf32>
    %add3A_348 = arith.addf %convert_element_type3A_17, %add3A_347 : vector<2048x128xf32>
    %select_n3A_349 = arith.select %lt3A_340, %add3A_348, %select_n3A_338 : vector<2048x128xi1>, vector<2048x128xf32>
    %slice3A_350 = vector.extract_strided_slice %add3A_16 {offsets = [0, 3968], sizes = [2048, 128], strides = [1, 1]} : vector<2048x4096xf32> to vector<2048x128xf32>
    %lt3A_351 = arith.cmpf olt, %slice3A_350, %select_n3A_341 : vector<2048x128xf32>
    %select_n3A_352 = arith.select %lt3A_351, %slice3A_350, %select_n3A_341 : vector<2048x128xi1>, vector<2048x128xf32>
    %mul3A_353 = arith.constant 4096 : i32
    %mul3A_354 = arith.muli %arg1, %mul3A_353 : i32
    %add3A_355 = arith.constant 3968 : i32
    %add3A_356 = arith.addi %mul3A_354, %add3A_355 : i32
    %convert_element_type3A_357 = arith.sitofp %add3A_356 : i32 to f32
    %add3A_358 = vector.broadcast %convert_element_type3A_357 : f32 to vector<2048x128xf32>
    %add3A_359 = arith.addf %convert_element_type3A_17, %add3A_358 : vector<2048x128xf32>
    %select_n3A_360 = arith.select %lt3A_351, %add3A_359, %select_n3A_349 : vector<2048x128xi1>, vector<2048x128xf32>
    %reduce_min3A = arith.constant dense<0x7F800000> : vector<2048xf32>
    %reduce_min3A_361 = vector.multi_reduction <minimumf>, %select_n3A_352, %reduce_min3A [1] : vector<2048x128xf32> to vector<2048xf32>
    %broadcast_in_dim3A = vector.shape_cast %reduce_min3A_361 : vector<2048xf32> to vector<2048x1xf32>
    %eq3A_362 = vector.broadcast %broadcast_in_dim3A : vector<2048x1xf32> to vector<2048x128xf32>
    %eq3A_363 = arith.cmpf oeq, %select_n3A_352, %eq3A_362 : vector<2048x128xf32>
    %jit3A = arith.constant 0x4B800000 : f32
    %broadcast_in_dim3A_364 = vector.broadcast %jit3A : f32 to vector<2048x128xf32>
    %select_n3A_365 = arith.select %eq3A_363, %select_n3A_360, %broadcast_in_dim3A_364 : vector<2048x128xi1>, vector<2048x128xf32>
    %reduce_min3A_366 = arith.constant dense<0x7F800000> : vector<2048xf32>
    %reduce_min3A_367 = vector.multi_reduction <minimumf>, %select_n3A_365, %reduce_min3A_366 [1] : vector<2048x128xf32> to vector<2048xf32>
    %broadcast_in_dim3A_368 = vector.shape_cast %reduce_min3A_367 : vector<2048xf32> to vector<2048x1xf32>
    %get3A_369 = arith.constant 0 : index
    %get3A_370 = arith.constant 0 : index
    %get3A_371 = vector.load %arg8[%get3A_369, %get3A_370] : memref<2048x1xf32, #tpu.memory_space<vmem>>, vector<2048x1xf32>
    %lt3A_372 = arith.cmpf olt, %broadcast_in_dim3A, %get3A_371 : vector<2048x1xf32>
    %get3A_373 = arith.constant 0 : index
    %get3A_374 = arith.constant 0 : index
    %get3A_375 = vector.load %arg8[%get3A_373, %get3A_374] : memref<2048x1xf32, #tpu.memory_space<vmem>>, vector<2048x1xf32>
    %select_n3A_376 = arith.select %lt3A_372, %broadcast_in_dim3A, %get3A_375 : vector<2048x1xi1>, vector<2048x1xf32>
    %swap3A = arith.constant 0 : index
    %swap3A_377 = arith.constant 0 : index
    %swap3A_378 = vector.load %arg8[%swap3A, %swap3A_377] : memref<2048x1xf32, #tpu.memory_space<vmem>>, vector<2048x1xf32>
    tpu.vector_store %arg8[%swap3A, %swap3A_377], %select_n3A_376 {strides = array<i32>} : memref<2048x1xf32, #tpu.memory_space<vmem>>, vector<2048x1xf32>,
    %get3A_379 = arith.constant 0 : index
    %get3A_380 = arith.constant 0 : index
    %get3A_381 = vector.load %arg9[%get3A_379, %get3A_380] : memref<2048x1xf32, #tpu.memory_space<vmem>>, vector<2048x1xf32>
    %select_n3A_382 = arith.select %lt3A_372, %broadcast_in_dim3A_368, %get3A_381 : vector<2048x1xi1>, vector<2048x1xf32>
    %swap3A_383 = arith.constant 0 : index
    %swap3A_384 = arith.constant 0 : index
    %swap3A_385 = vector.load %arg9[%swap3A_383, %swap3A_384] : memref<2048x1xf32, #tpu.memory_space<vmem>>, vector<2048x1xf32>
    tpu.vector_store %arg9[%swap3A_383, %swap3A_384], %select_n3A_382 {strides = array<i32>} : memref<2048x1xf32, #tpu.memory_space<vmem>>, vector<2048x1xf32>,
    %eq3A_386 = arith.constant 0 : i32
    %eq3A_387 = arith.cmpi eq, %arg1, %eq3A_386 : i32
    %eq3A_388 = arith.constant 1 : i32
    %eq3A_389 = arith.cmpi eq, %arg1, %eq3A_388 : i32
    %or3A = arith.ori %eq3A_387, %eq3A_389 : i1
    %eq3A_390 = arith.constant 1 : i32
    %eq3A_391 = arith.cmpi eq, %arg1, %eq3A_390 : i32
    %or3A_392 = arith.ori %or3A, %eq3A_391 : i1
    %convert_element_type3A_393 = arith.extui %or3A_392 : i1 to i32
    %cond3A_394 = arith.constant 0 : i32
    %cond3A_395 = arith.cmpi ne, %convert_element_type3A_393, %cond3A_394 : i32
    scf.if %cond3A_395 {
      %get3A_401 = arith.constant 0 : index
      %get3A_402 = arith.constant 0 : index
      %get3A_403 = vector.load %arg8[%get3A_401, %get3A_402] : memref<2048x1xf32, #tpu.memory_space<vmem>>, vector<2048x1xf32>
      %get3A_404 = arith.constant 0 : index
      %get3A_405 = arith.constant 0 : index
      %get3A_406 = vector.load %arg10[%get3A_404, %get3A_405] : memref<2048x1xf32, #tpu.memory_space<vmem>>, vector<2048x1xf32>
      %lt3A_407 = arith.cmpf olt, %get3A_403, %get3A_406 : vector<2048x1xf32>
      %get3A_408 = arith.constant 0 : index
      %get3A_409 = arith.constant 0 : index
      %get3A_410 = vector.load %arg8[%get3A_408, %get3A_409] : memref<2048x1xf32, #tpu.memory_space<vmem>>, vector<2048x1xf32>
      %get3A_411 = arith.constant 0 : index
      %get3A_412 = arith.constant 0 : index
      %get3A_413 = vector.load %arg10[%get3A_411, %get3A_412] : memref<2048x1xf32, #tpu.memory_space<vmem>>, vector<2048x1xf32>
      %select_n3A_414 = arith.select %lt3A_407, %get3A_410, %get3A_413 : vector<2048x1xi1>, vector<2048x1xf32>
      %convert_element_type3A_415 = arith.truncf %select_n3A_414 : vector<2048x1xf32> to vector<2048x1xbf16>
      %convert_element_type3A_416 = arith.extf %convert_element_type3A_415 : vector<2048x1xbf16> to vector<2048x1xf32>
      %swap3A_417 = arith.constant 0 : index
      %swap3A_418 = arith.constant 0 : index
      %swap3A_419 = vector.load %arg10[%swap3A_417, %swap3A_418] : memref<2048x1xf32, #tpu.memory_space<vmem>>, vector<2048x1xf32>
      tpu.vector_store %arg10[%swap3A_417, %swap3A_418], %convert_element_type3A_416 {strides = array<i32>} : memref<2048x1xf32, #tpu.memory_space<vmem>>, vector<2048x1xf32>,
      %get3A_420 = arith.constant 0 : index
      %get3A_421 = arith.constant 0 : index
      %get3A_422 = vector.load %arg9[%get3A_420, %get3A_421] : memref<2048x1xf32, #tpu.memory_space<vmem>>, vector<2048x1xf32>
      %get3A_423 = arith.constant 0 : index
      %get3A_424 = arith.constant 0 : index
      %get3A_425 = vector.load %arg11[%get3A_423, %get3A_424] : memref<2048x1xf32, #tpu.memory_space<vmem>>, vector<2048x1xf32>
      %select_n3A_426 = arith.select %lt3A_407, %get3A_422, %get3A_425 : vector<2048x1xi1>, vector<2048x1xf32>
      %swap3A_427 = arith.constant 0 : index
      %swap3A_428 = arith.constant 0 : index
      %swap3A_429 = vector.load %arg11[%swap3A_427, %swap3A_428] : memref<2048x1xf32, #tpu.memory_space<vmem>>, vector<2048x1xf32>
      tpu.vector_store %arg11[%swap3A_427, %swap3A_428], %select_n3A_426 {strides = array<i32>} : memref<2048x1xf32, #tpu.memory_space<vmem>>, vector<2048x1xf32>,
      %broadcast_in_dim3A_430 = arith.constant 0x7F800000 : f32
      %broadcast_in_dim3A_431 = vector.broadcast %broadcast_in_dim3A_430 : f32 to vector<2048x1xf32>
      %swap3A_432 = arith.constant 0 : index
      %swap3A_433 = arith.constant 0 : index
      %swap3A_434 = vector.load %arg8[%swap3A_432, %swap3A_433] : memref<2048x1xf32, #tpu.memory_space<vmem>>, vector<2048x1xf32>
      tpu.vector_store %arg8[%swap3A_432, %swap3A_433], %broadcast_in_dim3A_431 {strides = array<i32>} : memref<2048x1xf32, #tpu.memory_space<vmem>>, vector<2048x1xf32>,
      %broadcast_in_dim3A_435 = arith.constant 0.000000e+00 : f32
      %broadcast_in_dim3A_436 = vector.broadcast %broadcast_in_dim3A_435 : f32 to vector<2048x1xf32>
      %swap3A_437 = arith.constant 0 : index
      %swap3A_438 = arith.constant 0 : index
      %swap3A_439 = vector.load %arg9[%swap3A_437, %swap3A_438] : memref<2048x1xf32, #tpu.memory_space<vmem>>, vector<2048x1xf32>
      tpu.vector_store %arg9[%swap3A_437, %swap3A_438], %broadcast_in_dim3A_436 {strides = array<i32>} : memref<2048x1xf32, #tpu.memory_space<vmem>>, vector<2048x1xf32>,
    } else {
    }
    %eq3A_396 = arith.constant 1 : i32
    %eq3A_397 = arith.cmpi eq, %arg1, %eq3A_396 : i32
    %convert_element_type3A_398 = arith.extui %eq3A_397 : i1 to i32
    %cond3A_399 = arith.constant 0 : i32
    %cond3A_400 = arith.cmpi ne, %convert_element_type3A_398, %cond3A_399 : i32
    scf.if %cond3A_400 {
      %get3A_401 = arith.constant 0 : index
      %get3A_402 = arith.constant 0 : index
      %get3A_403 = vector.load %arg11[%get3A_401, %get3A_402] : memref<2048x1xf32, #tpu.memory_space<vmem>>, vector<2048x1xf32>
      %convert_element_type3A_404 = arith.fptosi %get3A_403 : vector<2048x1xf32> to vector<2048x1xi32>
      %swap3A_405 = arith.constant 0 : index
      %swap3A_406 = arith.constant 0 : index
      %swap3A_407 = vector.load %arg6[%swap3A_405, %swap3A_406] : memref<2048x1xi32, #tpu.memory_space<vmem>>, vector<2048x1xi32>
      tpu.vector_store %arg6[%swap3A_405, %swap3A_406], %convert_element_type3A_404 {strides = array<i32>} : memref<2048x1xi32, #tpu.memory_space<vmem>>, vector<2048x1xi32>,
    } else {
    }
    return
  }
  func.func @transform_0(%arg0: i32, %arg1: i32) -> (i32, i32) {
    %c0_i32 = arith.constant 0 : i32
    %c0_i32_0 = arith.constant 0 : i32
    return %arg0, %c0_i32 : i32, i32
  }
  func.func @transform_1(%arg0: i32, %arg1: i32) -> (i32, i32) {
    %c0_i32 = arith.constant 0 : i32
    %c0_i32_0 = arith.constant 0 : i32
    return %c0_i32, %arg1 : i32, i32
  }
  func.func @transform_2(%arg0: i32, %arg1: i32) -> (i32, i32) {
    %c0_i32 = arith.constant 0 : i32
    %c0_i32_0 = arith.constant 0 : i32
    return %arg0, %c0_i32 : i32, i32
  }
  func.func @transform_3(%arg0: i32, %arg1: i32) -> (i32, i32) {
    %c0_i32 = arith.constant 0 : i32
    %c0_i32_0 = arith.constant 0 : i32
    return %c0_i32, %arg1 : i32, i32
  }
  func.func @transform_4(%arg0: i32, %arg1: i32) -> (i32, i32) {
    %c0_i32 = arith.constant 0 : i32
    %c0_i32_0 = arith.constant 0 : i32
    return %arg0, %c0_i32 : i32, i32
  }
}

module attributes {stable_mosaic.version = 14 : i64} {
  func.func @_final_body(%arg0: i32, %arg1: memref<2048x256xf32, #tpu.memory_space<vmem>>, %arg2: memref<2048x256xf32, #tpu.memory_space<vmem>>, %arg3: memref<32x8192xf32, #tpu.memory_space<vmem>>, %arg4: memref<1x1xf32, #tpu.memory_space<vmem>>, %arg5: memref<1x1xf32, #tpu.memory_space<vmem>>, %arg6: memref<1xf32, #tpu.memory_space<smem>>) attributes {dimension_semantics = [#tpu.dimension_semantics<arbitrary>], iteration_bounds = array<i64: 4>, scalar_prefetch = 0 : i64, scratch_operands = 1 : i64, tpu.core_type = #tpu.core_type<tc>, window_params = [{transform_indices = @transform_0, window_bounds = array<i64: 2048, 256>}, {transform_indices = @transform_1, window_bounds = array<i64: 2048, 256>}, {pipeline_mode = #tpu.pipeline_mode<synchronous>, transform_indices = @transform_2, window_bounds = array<i64: 32, 8192>}, {pipeline_mode = #tpu.pipeline_mode<synchronous>, transform_indices = @transform_3, window_bounds = array<i64: 1, 1>}, {pipeline_mode = #tpu.pipeline_mode<synchronous>, transform_indices = @transform_4, window_bounds = array<i64: 1, 1>}]} {
    %eq3A = arith.constant 0 : i32
    %eq3A_0 = arith.cmpi eq, %arg0, %eq3A : i32
    %convert_element_type3A = arith.extui %eq3A_0 : i1 to i32
    %cond3A = arith.constant 0 : i32
    %cond3A_1 = arith.cmpi ne, %convert_element_type3A, %cond3A : i32
    scf.if %cond3A_1 {
      %swap3A_19 = arith.constant 0.000000e+00 : f32
      %swap3A_20 = arith.constant 0 : index
      %swap3A_21 = memref.load %arg6[%swap3A_20] : memref<1xf32, #tpu.memory_space<smem>>
      memref.store %swap3A_19, %arg6[%swap3A_20] : memref<1xf32, #tpu.memory_space<smem>>
    } else {
    }
    %get3A = arith.constant 0 : index
    %get3A_2 = arith.constant 0 : index
    %get3A_3 = vector.load %arg2[%get3A, %get3A_2] : memref<2048x256xf32, #tpu.memory_space<vmem>>, vector<2048x256xf32>
    %get3A_4 = arith.constant 0 : index
    %get3A_5 = arith.constant 0 : index
    %get3A_6 = vector.load %arg1[%get3A_4, %get3A_5] : memref<2048x256xf32, #tpu.memory_space<vmem>>, vector<2048x256xf32>
    %sub3A = arith.subf %get3A_3, %get3A_6 : vector<2048x256xf32>
    %get3A_7 = arith.constant 0 : index
    %get3A_8 = memref.load %arg6[%get3A_7] : memref<1xf32, #tpu.memory_space<smem>>
    %mul3A = arith.mulf %sub3A, %sub3A : vector<2048x256xf32>
    %reduce_sum3A = vector.shape_cast %mul3A : vector<2048x256xf32> to vector<1x2048x256xf32>
    %reduce_sum3A_9 = arith.constant dense<0.000000e+00> : vector<1xf32>
    %reduce_sum3A_10 = vector.multi_reduction <add>, %reduce_sum3A, %reduce_sum3A_9 [1, 2] : vector<1x2048x256xf32> to vector<1xf32>
    %reduce_sum3A_11 = vector.shape_cast %reduce_sum3A_10 : vector<1xf32> to vector<1x1x1xf32>
    %reduce_sum3A_12 = vector.extract %reduce_sum3A_11[0, 0, 0] : f32 from vector<1x1x1xf32>
    %add3A = arith.addf %get3A_8, %reduce_sum3A_12 : f32
    %swap3A = arith.constant 0 : index
    %swap3A_13 = memref.load %arg6[%swap3A] : memref<1xf32, #tpu.memory_space<smem>>
    memref.store %add3A, %arg6[%swap3A] : memref<1xf32, #tpu.memory_space<smem>>
    %eq3A_14 = arith.constant 3 : i32
    %eq3A_15 = arith.cmpi eq, %arg0, %eq3A_14 : i32
    %convert_element_type3A_16 = arith.extui %eq3A_15 : i1 to i32
    %cond3A_17 = arith.constant 0 : i32
    %cond3A_18 = arith.cmpi ne, %convert_element_type3A_16, %cond3A_17 : i32
    scf.if %cond3A_18 {
      %get3A_19 = arith.constant 0 : index
      %get3A_20 = memref.load %arg6[%get3A_19] : memref<1xf32, #tpu.memory_space<smem>>
      %div3A = arith.constant 0x4A000000 : f32
      %div3A_21 = arith.divf %get3A_20, %div3A : f32
      %mul3A_22 = arith.constant 2.500000e-01 : f32
      %mul3A_23 = arith.mulf %mul3A_22, %div3A_21 : f32
      %add3A_24 = arith.addf %div3A_21, %mul3A_23 : f32
      %broadcast_in_dim3A = vector.broadcast %add3A_24 : f32 to vector<1x1xf32>
      %swap3A_25 = arith.constant 0 : index
      %swap3A_26 = arith.constant 0 : index
      %swap3A_27 = vector.load %arg4[%swap3A_25, %swap3A_26] : memref<1x1xf32, #tpu.memory_space<vmem>>, vector<1x1xf32>
      tpu.vector_store %arg4[%swap3A_25, %swap3A_26], %broadcast_in_dim3A {strides = array<i32>} : memref<1x1xf32, #tpu.memory_space<vmem>>, vector<1x1xf32>,
      %get3A_28 = arith.constant 0 : index
      %get3A_29 = arith.constant 0 : index
      %get3A_30 = vector.load %arg3[%get3A_28, %get3A_29] : memref<32x8192xf32, #tpu.memory_space<vmem>>, vector<32x8192xf32>
      %reduce_sum3A_31 = arith.constant dense<0.000000e+00> : vector<8192xf32>
      %reduce_sum3A_32 = vector.multi_reduction <add>, %get3A_30, %reduce_sum3A_31 [0] : vector<32x8192xf32> to vector<8192xf32>
      %broadcast_in_dim3A_33 = vector.shape_cast %reduce_sum3A_32 : vector<8192xf32> to vector<1x8192xf32>
      %mul3A_34 = arith.constant 1.22070313E-4 : f32
      %mul3A_35 = arith.constant 0.899999976 : f32
      %mul3A_36 = arith.mulf %mul3A_34, %mul3A_35 : f32
      %div3A_37 = arith.constant 8.192000e+03 : f32
      %div3A_38 = vector.broadcast %div3A_37 : f32 to vector<1x8192xf32>
      %div3A_39 = arith.divf %broadcast_in_dim3A_33, %div3A_38 : vector<1x8192xf32>
      %mul3A_40 = arith.constant 1.000000e-01 : f32
      %mul3A_41 = vector.broadcast %mul3A_40 : f32 to vector<1x8192xf32>
      %mul3A_42 = arith.mulf %div3A_39, %mul3A_41 : vector<1x8192xf32>
      %add3A_43 = vector.broadcast %mul3A_36 : f32 to vector<1x8192xf32>
      %add3A_44 = arith.addf %add3A_43, %mul3A_42 : vector<1x8192xf32>
      %add3A_45 = arith.constant 1.000000e-10 : f32
      %add3A_46 = vector.broadcast %add3A_45 : f32 to vector<1x8192xf32>
      %add3A_47 = arith.addf %add3A_44, %add3A_46 : vector<1x8192xf32>
      %log3A = math.log %add3A_47 : vector<1x8192xf32>
      %mul3A_48 = arith.mulf %add3A_44, %log3A : vector<1x8192xf32>
      %reduce_sum3A_49 = vector.shape_cast %mul3A_48 : vector<1x8192xf32> to vector<1x1x8192xf32>
      %reduce_sum3A_50 = arith.constant dense<0.000000e+00> : vector<1xf32>
      %reduce_sum3A_51 = vector.multi_reduction <add>, %reduce_sum3A_49, %reduce_sum3A_50 [1, 2] : vector<1x1x8192xf32> to vector<1xf32>
      %reduce_sum3A_52 = vector.shape_cast %reduce_sum3A_51 : vector<1xf32> to vector<1x1x1xf32>
      %reduce_sum3A_53 = vector.extract %reduce_sum3A_52[0, 0, 0] : f32 from vector<1x1x1xf32>
      %neg3A = arith.constant 0.000000e+00 : f32
      %neg3A_54 = arith.subf %neg3A, %reduce_sum3A_53 : f32
      %exp3A = math.exp %neg3A_54 : f32
      %broadcast_in_dim3A_55 = vector.broadcast %exp3A : f32 to vector<1x1xf32>
      %swap3A_56 = arith.constant 0 : index
      %swap3A_57 = arith.constant 0 : index
      %swap3A_58 = vector.load %arg5[%swap3A_56, %swap3A_57] : memref<1x1xf32, #tpu.memory_space<vmem>>, vector<1x1xf32>
      tpu.vector_store %arg5[%swap3A_56, %swap3A_57], %broadcast_in_dim3A_55 {strides = array<i32>} : memref<1x1xf32, #tpu.memory_space<vmem>>, vector<1x1xf32>,
    } else {
    }
    return
  }
  func.func @transform_0(%arg0: i32) -> (i32, i32) {
    %c0_i32 = arith.constant 0 : i32
    %c0_i32_0 = arith.constant 0 : i32
    return %arg0, %c0_i32 : i32, i32
  }
  func.func @transform_1(%arg0: i32) -> (i32, i32) {
    %c0_i32 = arith.constant 0 : i32
    %c0_i32_0 = arith.constant 0 : i32
    return %arg0, %c0_i32 : i32, i32
  }
  func.func @transform_2(%arg0: i32) -> (i32, i32) {
    %c0_i32 = arith.constant 0 : i32
    %c0_i32_0 = arith.constant 0 : i32
    %c0_i32_1 = arith.constant 0 : i32
    return %c0_i32, %c0_i32_0 : i32, i32
  }
  func.func @transform_3(%arg0: i32) -> (i32, i32) {
    %c0_i32 = arith.constant 0 : i32
    %c0_i32_0 = arith.constant 0 : i32
    %c0_i32_1 = arith.constant 0 : i32
    return %c0_i32, %c0_i32_0 : i32, i32
  }
  func.func @transform_4(%arg0: i32) -> (i32, i32) {
    %c0_i32 = arith.constant 0 : i32
    %c0_i32_0 = arith.constant 0 : i32
    %c0_i32_1 = arith.constant 0 : i32
    return %c0_i32, %c0_i32_0 : i32, i32
  }
}

</mosaic_0001>

<sc_bundles>
// kernel: kernel.5.cloned.1.call-start
scs
__scs_entry_jumppad:
0x0: {  	(pc) =	sbr.rel $0x88, $3  }
0x1: {  	(tag) =	ssettag $0x0;
	lr =	simm.s32 $0x1  }
0x2: {  	[smem:$0x3F9F] =	sst lr;
	_ =	strace $0xD0000000  }
0x3: {  	_ = 	snop  }
0x4: {  	_ = 	snop  }
0x5: {  	_ = 	snop  }
0x6: {  	_ = 	snop  }
0x7: {  	_ = 	snop  }
__scs_overlays_trampoline_lowered:
0x8: {  	[smem:$0x3FAE] =	sst s0  }
0x9: {  	[smem:$0x3FAF] =	sst s1  }
0xa: {  	[smem:$0x3FB0] =	sst s2  }
0xb: {  	[smem:$0x3FB1] =	sst s3  }
0xc: {  	[smem:$0x3FB2] =	sst s4  }
0xd: {  	[smem:$0x3FB3] =	sst s5  }
0xe: {  	[smem:$0x3FB4] =	sst s6  }
0xf: {  	[smem:$0x3FB5] =	sst s7  }
0x10: {  	[smem:$0x3FB6] =	sst s8  }
0x11: {  	[smem:$0x3FB7] =	sst s9;
	s0 =	simm.s32 @!p0 $0x0  }
0x12: {  	s1 =	sld [smem:$0x3F9D];
	s0 =	simm.s32 @p0 $0x1  }
0x13: {  	[smem:$0x3FB8] =	sst s0;
	s0 =	simm.s32 @!p1 $0x0  }
0x14: {  	s2 =	sld [smem:$0x3F9C];
	s0 =	simm.s32 @p1 $0x1  }
0x15: {  	[smem:$0x3FB9] =	sst s0;
	s0 =	simm.s32 @!p2 $0x0  }
0x16: {  	s3 =	sld [smem:$0x3FDB];
	s0 =	simm.s32 @p2 $0x1  }
0x17: {  	s4 =	simm.s32 $0x1BF5;
	[smem:$0x3FBB] =	sst s0  }
0x18: {  	s0 =	sld [smem:$0x3F9E];
	_ =	swait.ge [sflag:s4], $0x0  }
0x19: {  	s7 =	sld [smem:$0x3F9F]  }
0x1a: {  	s8 =	sadd.s32 $0xFFFFE003, lr  }
0x1b: {  	s9 =	sadd.s32 $0xFFFFFEF7, lr;
	s5 =	simm.s32 $0xFFFFFFFF;
	p2 =	slt.u32 s8, $0xFFFFF086  }
0x1c: {  	p1 =	slt.u32 s9, $0xF7A;
	s5 =	simm.s32 @!p2 $0x0  }
0x1d: {  	s5 =	simm.s32 @p1 $0x1;
	p0 =	seq.s32 s7, s2  }
0x1e: {  	s7 =	smul.u32 @!p0 $0xF7A, s2;
	p2 =	seq.s32 @!p0 s5, $0x0  }
0x1f: {  	s9 =	smul.u32 $0xF7A, s1;
	s8 =	simm.s32 @!p0 $0x1BF5;
	p2 =	por !p2, p0  }
0x20: {  	[sflag:s8] =	ssyncset.s32 @!p0 $0xFFFFF086;
	s6 =	sadd.s32 @!p0 s3, s7;
	s7 =	simm.s32 @!p0 $0x108  }
0x21: {  	s3 =	sadd.s32 s3, s9;
	s6 =	sadd.s32 @!p0 $0x88, s6;
	s7 =	simm.s32 @p2 $0x1082  }
0x22: {  	[simem:s7], [sflag:s8] =	dma.local @!p0 [hbm:s6], $0xF7A  }
0x23: {  	s9 =	sor.u32 $0xD0000000, s2;
	s6 =	simm.s32 $0x108;
	_ =	swait.ge @!p0 [sflag:s8], $0x0  }
0x24: {  	s3 =	sadd.s32 $0x88, s3;
	s6 =	simm.s32 @!p1 $0x1082;
	[sflag:s4] =	ssyncset.s32 $0xFFFFF086  }
0x25: {  	[simem:s6], [sflag:s4] =	dma.local [hbm:s3], $0xF7A  }
0x26: {  	[smem:$0x3F9F] =	sst s1;
	(tag) =	ssettag s2;
	_ =	strace s9  }
0x27: {  	s1 =	sld [smem:$0x3FAF]  }
0x28: {  	s2 =	sld [smem:$0x3FB0]  }
0x29: {  	s4 =	sld [smem:$0x3FB2]  }
0x2a: {  	p0 =	seq.s32 s5, $0x0;
	s5 =	sld [smem:$0x3FB3]  }
0x2b: {  	s6 =	sld [smem:$0x3FB4]  }
0x2c: {  	s7 =	sld [smem:$0x3FB5]  }
0x2d: {  	s3 =	simm.s32 $0x108;
	s8 =	sld [smem:$0x3FB6]  }
0x2e: {  	s3 =	simm.s32 @!p0 $0x1082;
	s9 =	sld [smem:$0x3FB7]  }
0x2f: {  	lr =	sadd.s32 s0, s3;
	s0 =	sld [smem:$0x3FAE]  }
0x30: {  	s3 =	sld [smem:$0x3FB1]  }
0x31: {  	[smem:$0x3FBA] =	sst s10  }
0x32: {  	s10 =	sld [smem:$0x3FB8];
	_ =	sdelay $0x3  }
0x33: {  	p0 =	seq.s32 s10, $0x1;
	s10 =	sld [smem:$0x3FBA];
	_ =	sdelay $0x3  }
0x34: {  	[smem:$0x3FBA] =	sst s10  }
0x35: {  	s10 =	sld [smem:$0x3FB9];
	_ =	sdelay $0x3  }
0x36: {  	p1 =	seq.s32 s10, $0x1;
	s10 =	sld [smem:$0x3FBA];
	_ =	sdelay $0x3  }
0x37: {  	[smem:$0x3FBA] =	sst s10  }
0x38: {  	s10 =	sld [smem:$0x3FBB]  }
0x39: {  	_ = 	snop;
	(pc) =	sbr.ind lr, $3  }
0x3a: {  	_ = 	snop  }
0x3b: {  	_ = 	snop  }
0x3c: {  	p2 =	seq.s32 s10, $0x1;
	s10 =	sld [smem:$0x3FBA]  }
0x3d: {  	_ =	shalt  }
0x3e: {  	_ =	shalt  }
0x3f: {  	_ =	shalt  }
0x40: {  	_ =	shalt  }
0x41: {  	_ =	shalt  }
0x42: {  	_ =	shalt  }
0x43: {  	_ =	shalt  }
0x44: {  	_ =	shalt  }
0x45: {  	_ =	shalt  }
0x46: {  	_ =	shalt  }
0x47: {  	_ =	shalt  }
0x48: {  	_ =	shalt  }
0x49: {  	_ =	shalt  }
0x4a: {  	_ =	shalt  }
0x4b: {  	_ =	shalt  }
0x4c: {  	_ =	shalt  }
0x4d: {  	_ =	shalt  }
0x4e: {  	_ =	shalt  }
0x4f: {  	_ =	shalt  }
0x50: {  	_ =	shalt  }
0x51: {  	_ =	shalt  }
0x52: {  	_ =	shalt  }
0x53: {  	_ =	shalt  }
0x54: {  	_ =	shalt  }
0x55: {  	_ =	shalt  }
0x56: {  	_ =	shalt  }
0x57: {  	_ =	shalt  }
0x58: {  	_ =	shalt  }
0x59: {  	_ =	shalt  }
0x5a: {  	_ =	shalt  }
0x5b: {  	_ =	shalt  }
0x5c: {  	_ =	shalt  }
0x5d: {  	_ =	shalt  }
0x5e: {  	_ =	shalt  }
0x5f: {  	_ =	shalt  }
0x60: {  	_ =	shalt  }
0x61: {  	_ =	shalt  }
0x62: {  	_ =	shalt  }
0x63: {  	_ =	shalt  }
0x64: {  	_ =	shalt  }
0x65: {  	_ =	shalt  }
0x66: {  	_ =	shalt  }
0x67: {  	_ =	shalt  }
0x68: {  	_ =	shalt  }
0x69: {  	_ =	shalt  }
0x6a: {  	_ =	shalt  }
0x6b: {  	_ =	shalt  }
0x6c: {  	_ =	shalt  }
0x6d: {  	_ =	shalt  }
0x6e: {  	_ =	shalt  }
0x6f: {  	_ =	shalt  }
0x70: {  	_ =	shalt  }
0x71: {  	_ =	shalt  }
0x72: {  	_ =	shalt  }
0x73: {  	_ =	shalt  }
0x74: {  	_ =	shalt  }
0x75: {  	_ =	shalt  }
0x76: {  	_ =	shalt  }
0x77: {  	_ =	shalt  }
0x78: {  	_ =	shalt  }
0x79: {  	_ =	shalt  }
0x7a: {  	_ =	shalt  }
0x7b: {  	_ =	shalt  }
0x7c: {  	_ =	shalt  }
0x7d: {  	_ =	shalt  }
0x7e: {  	_ =	shalt  }
0x7f: {  	_ =	shalt  }
0x80: {  	_ =	shalt  }
0x81: {  	_ =	shalt  }
0x82: {  	_ =	shalt  }
0x83: {  	_ =	shalt  }
0x84: {  	_ =	shalt  }
0x85: {  	_ =	shalt  }
0x86: {  	_ =	shalt  }
0x87: {  	_ =	shalt  }
.Lfunc_end0:
.L_simem_size_0:
called_computation_lowered:
.L_overlay_start_0:
0x88: {  	s2 =	sld [smem:$0x3FD9]  }
0x89: {  	s3 =	sld [smem:$0x3FFE];
	_ =	sdelay $0x1  }
0x8a: {  	s1 =	srdreg.scid  }
0x8b: {  	s0 =	sand.u32 $0x1, s1  }
0x8c: {  	s14 =	sshll.u32 s0, $0xA;
	s2 =	sadd.s32 s3, s2  }
0x8d: {  	s2 =	sadd.s32 s2, s14  }
0x8e: {  	[smem:$0x3FC6] =	sst s2  }
0x8f: {  	_ = 	snop  }
0x90: {  	s2 =	sld [smem:$0x3FD0];
	_ =	sdelay $0x2  }
0x91: {  	s15 =	simm.s32 $0xA;
	s4 =	simm.s32 $0x10  }
0x92: {  	[smem:s4], [sflag:s15] =	dma.local [hbm:s2], $0x1  }
0x93: {  	_ =	swait.eq [sflag:s15], $0x1  }
0x94: {  	[sflag:s15] =	ssyncset.done $0x0  }
0x95: {  	[sflag:s15] =	ssyncadd.s32 $0xFFFFFFFF  }
0x96: {  	s16 =	sld [smem:$0x10];
	(tm) =	ssettm $0x1  }
0x97: {  	s17 =	sld [smem:$0x3FFB];
	_ =	sdelay $0x3  }
0x98: {  	_ =	strace s17  }
0x99: {  	s3 =	sld [smem:$0x3FFC];
	_ =	sdelay $0x3  }
0x9a: {  	_ =	strace s3  }
0x9b: {  	s3 =	sld [smem:$0x3FFD];
	_ =	sdelay $0x3  }
0x9c: {  	_ =	strace s3  }
0x9d: {  	_ =	strace $0x8FFFFFFF  }
0x9e: {  	s18 =	sld [smem:$0x3FDB];
	_ =	sdelay $0x1  }
0x9f: {  	s19 =	simm.s32 $_scs_section_size  }
0xa0: {  	s5 =	simm.s32 $_size__tile_overlayer_lowered;
	s6 =	simm.s32 $_tile_overlayer_lowered  }
0xa1: {  	s22 =	simm.s32 $0x1BFF;
	s21 =	sshll.u32 s6, $0x1;
	s3 =	sadd.s32 s19, s18  }
0xa2: {  	s7 =	simm.s32 $0x0;
	s20 =	sshll.u32 s5, $0x1;
	s5 =	sadd.s32 s21, s3  }
0xa3: {  	[timem:s7], [sflag:s22] =	dma.local [hbm:s5], s20  }
0xa4: {  	_ =	swait.ge [sflag:s22], s20  }
0xa5: {  	s4 =	ssub.s32 $0x0, s20;
	[sflag:s22] =	ssyncset.done $0x0  }
0xa6: {  	[sflag:s22] =	ssyncadd.s32 s4;
	_ =	sdelay $0x1  }
0xa7: {  	s23 =	simm.s32 $0x1B8B  }
0xa8: {  	_ =	swait.ge [sflag:s23], $0x1  }
0xa9: {  	[sflag:s23] =	ssyncset.done $0x0  }
0xaa: {  	s25 =	simm.s32 $0x1B8E;
	s24 =	sld [smem:$0x3FFE];
	[sflag:s23] =	ssyncadd.s32 $0xFFFFFFFF  }
0xab: {  	s26 =	simm.s32 $execute0_lowered;
	[smem:$0x3FD2] =	sst s25  }
0xac: {  	s5 =	sshll.u32 s26, $0x1;
	_ =	strace $0x80000046;
	[dreg:$0x1] =	wrdreg $0xFFFFFFFF  }
0xad: {  	s28 =	simm.s32 $_size_execute0_lowered;
	s3 =	sadd.s32 s3, s5;
	[dreg:$0x0] =	wrdreg $0x0  }
0xae: {  	s5 =	sshll.u32 s28, $0x1;
	[dreg:$0x2] =	wrdreg s3  }
0xaf: {  	[dreg:$0x3] =	wrdreg s5  }
0xb0: {  	[dreg:$0x4] =	wrdreg $0xC0  }
0xb1: {  	_ =	task [dreg:s7], $0x5FFFF  }
0xb2: {  	[dreg:$0x1] =	wrdreg $0xFFFFFFFF  }
0xb3: {  	[dreg:$0x0] =	wrdreg $0x60  }
0xb4: {  	[dreg:$0x2] =	wrdreg s24  }
0xb5: {  	[dreg:$0x3] =	wrdreg s16  }
0xb6: {  	[dreg:$0x4] =	wrdreg $0x9  }
0xb7: {  	_ =	task.clear_ibuf [dreg:s7], $0x5FFFF;
	_ =	strace $0x90000046  }
0xb8: {  	s29 =	simm.s32 $0x9;
	_ =	strace $0x80000048  }
0xb9: {  	_ =	swait.ge [sflag:s29], $0x1  }
0xba: {  	[sflag:s29] =	ssyncadd.s32 $0xFFFFFFFF  }
0xbb: {  	_ =	strace $0x90000048  }
0xbc: {  	_ =	sfence  }
0xbd: {  	s30 =	sld [smem:$0x0];
	_ =	sdelay $0x2  }
0xbe: {  	s31 =	sshll.u32 s1, $0xD;
	s1 =	sshrl.u32 s1, $0x2  }
0xbf: {  	s3 =	sand.u32 $0x4000, s31;
	s1 =	sadd.s32 s1, s30  }
0xc0: {  	s0 =	sor.u32 s3, s0;
	s1 =	sshll.u32 s1, $0x11  }
0xc1: {  	s0 =	sor.u32 s1, s0  }
0xc2: {  	s0 =	sadd.s32 $0x8F2B, s0  }
0xc3: {  	[sflag:s0] =	ssyncadd.remote.s32 $0x1  }
0xc4: {  	_ =	sfence.sel $0xFFFF  }
0xc5: {  	[dreg:$0x0] =	wrdreg $0xFFFFFFFF;
	(pc) =	sbr.abs _section_cstart, $3  }
0xc6: {  	[dreg:$0x1] =	wrdreg $0xFFFFFFFF  }
0xc7: {  	_ =	task.clear_ibuf [dreg:s7], $0x2FFFF;
	_ =	strace $0x9FFFFFFF  }
0xc8: {  	(tm) =	ssettm $0x7FFFFFFF  }
0xc9: {  	_ =	shalt  }
tec
execute0_lowered:
.L_overlay_start_1:
0x0: {  	(tag) =	ssettag $0x1  }
0x1: {  	s0 =	rddreg [dreg:$0x0];
	s1 =	srdreg.scid  }
0x2: {  	s2 =	stileid.u32;
	s7 =	rddreg [dreg:$0x1];
	s11 =	simm.s32 $0x1  }
0x3: {  	s12 =	simm.s32 $0x100;
	s29 =	simm.s32 $0x8100;
	s13 =	simm.s32 $0xA900  }
0x4: {  	s14 =	simm.s32 $0xB100;
	s15 =	simm.s32 $0xB900;
	s16 =	simm.s32 $0xC100  }
0x5: {  	s17 =	simm.s32 $0xC900;
	s18 =	simm.s32 $0xD100;
	s19 =	simm.s32 $0xD900  }
0x6: {  	s20 =	simm.s32 $0xE100;
	s21 =	simm.s32 $0xE900;
	s22 =	simm.s32 $0xF100  }
0x7: {  	s23 =	simm.s32 $0xF900;
	s24 =	simm.s32 $0x10100;
	s25 =	simm.s32 $0x2  }
0x8: {  	s28 =	simm.s32 $0x400;
	s1 =	sand.u32 $0x1, s1;
	s2 =	sshll.u32 s2, $0x1  }
0x9: {  	s30 =	simm.s32 $0x0;
	s8 =	sadd.s32 $0x40800, s0;
	s4 =	sor.u32 s1, s2  }
0xa: {  	s2 =	simm.s32 $0x0;
	s1 =	ssub.s32 $0x2, s1;
	s6 =	sshll.u32 s4, $0xD  }
0xb: {  	s3 =	sshll.u32 s4, $0x7;
	[smem:$0x7FF] =	sst s2;
	s26 =	sshll.u32 s4, $0x8  }
0xc: {  	s9 =	sshrl.u32 s1, $0x1;
	s4 =	sshll.u32 s4, $0x5;
	s3 =	sor.u32 s3, s6  }
0xd: {  	_ =	strace $0x80000047;
	s10 =	sor.u32 $0x80, s26;
	s1 =	ssub.s32 s1, s9  }
0xe: {  	s4 =	sadd.s32 s8, s4;
	s6 =	sadd.s32 s7, s6;
	s26 =	simm.s32 $0x3  }
0xf: {  	s5 =	sand.u32 $0x30380, s3;
	s3 =	sadd.s32 $0x800, s0;
	s31 =	sshll.u32 s10, $0x5  }
0x10: {  	v3 =	vlaneseq.u32;
	v0 =	vimm.f32 $0.0e+00;
	s9 =	smax.u32 s1, $0x1;
	s5 =	sshrl.u32 s5, $0x3;
	s7 =	sadd.s32 s7, s31  }
0x11: {  	vm0 =	vmmov $0xffff;
	v4 =	vimm.f32 $1.000000000e+00;
	v2 =	vshrl.u32 v3, $0x3;
	s0 =	sadd.s32 s5, s0;
	s5 =	sshrl.u32 s10, $0x3;
	s10 =	simm.s32 $0x80  }
0x12: {  	v1 =	vand.u32 $0x7, v3;
	v3 =	vor.u32 $0x8, v3;
	v2 =	vmul.u32 $0x8, v2;
	s5 =	sadd.s32 s8, s5;
	s8 =	sadd.s32 $0x40C00, s0;
	s0 =	simm.s32 $0xA100  }
.LBB2_1:
0x13: {  	[tilespmem:s2], [sflag:$0x1] =	stream.linear.gather [hbm4b:s4+s2], $0x80, $0x38;
	[tilespmem:$0x12100] =	vst v63  }
0x14: {  	s31 =	simm.s32 $0x0;
	s1 =	simm.s32 $0x200  }
0x15: {  	[tilespmem:s10], [sflag:$0x1] =	stream.linear.gather [hbm4b:s5+s2], $0x80, $0x38;
	[tilespmem:$0x12100] =	vst v63  }
.LBB2_2:
0x16: {  	p0 =	sne.s32 s1, $0x7E00;
	[tilespmem:s31+$0x10170] =	vst v0  }
0x17: {  	[tilespmem:s31+$0x10100] =	vst v0  }
0x18: {  	[tilespmem:s31+$0x10110] =	vst v0  }
.Ltmp0:
0x19: {  	[tilespmem:s31+$0x10120] =	vst v0;
	(pc) =	sbr.rel @p0 .LBB2_2-.Ltmp0, $4  }
0x1a: {  	[tilespmem:s31+$0x10130] =	vst v0  }
0x1b: {  	[tilespmem:s31+$0x10140] =	vst v0  }
0x1c: {  	[tilespmem:s31+$0x10150] =	vst v0  }
0x1d: {  	[tilespmem:s31+$0x10160] =	vst v0;
	s31 =	sshra.s32 s1, $0x2;
	s1 =	sadd.s32 $0x200, s1  }
0x1e: {  	[tilespmem:s31+$0x10170] =	vst v0  }
0x1f: {  	[tilespmem:s31+$0x10100] =	vst v0  }
0x20: {  	[tilespmem:s31+$0x10110] =	vst v0  }
0x21: {  	[tilespmem:s31+$0x10120] =	vst v0  }
0x22: {  	[tilespmem:s31+$0x10130] =	vst v0  }
0x23: {  	[tilespmem:s31+$0x10140] =	vst v0  }
0x24: {  	[tilespmem:s31+$0x10150] =	vst v0  }
0x25: {  	[tilespmem:s31+$0x10160] =	vst v0  }
0x26: {  	_ =	swait.ge [sflag:s11], $0x80  }
0x27: {  	[sflag:s11] =	ssyncset.done $0x0  }
0x28: {  	[sflag:s11] =	ssyncadd.s32 $0xFFFFFF80  }
0x29: {  	_ =	swait.ge [sflag:s11], $0x80  }
0x2a: {  	[sflag:s11] =	ssyncset.done $0x0  }
0x2b: {  	[sflag:s11] =	ssyncadd.s32 $0xFFFFFF80  }
0x2c: {  	v5 =	vld [tilespmem:$0x0];
	_ =	sdelay $0x4  }
0x2d: {  	v6 =	vshll.u32 v5, $0x1  }
0x2e: {  	v5 =	vand.u32 $0x7, v5;
	v6 =	vand.u32 $0xFFFFFFF0, v6  }
0x2f: {  	v5 =	vor.u32 v5, v6  }
0x30: {  	v6 =	vperm.xlane v5, v1;
	_ =	sdelay $0x1  }
0x31: {  	v5 =	vperm.xlane v5, v3;
	v6 =	vadd.s32 v2, v6;
	_ =	sdelay $0x1  }
0x32: {  	v5 =	vadd.s32 v2, v5;
	_ =	sdelay $0x2  }
0x33: {  	[tilespmem:s12], [sflag:$0x2] =	stream.indirect_vreg.gather [hbm4b:s3+s2], $0x80, v6, vm0, $0xb8;
	[tilespmem:$0x12100] =	vst v63  }
0x34: {  	s1 =	simm.s32 $0x900  }
0x35: {  	[tilespmem:s1], [sflag:$0x2] =	stream.indirect_vreg.gather [hbm4b:s3+s2], $0x80, v5, vm0, $0xb8;
	[tilespmem:$0x12100] =	vst v63  }
0x36: {  	v5 =	vld [tilespmem:$0x10];
	_ =	sdelay $0x4  }
0x37: {  	v6 =	vshll.u32 v5, $0x1  }
0x38: {  	v5 =	vand.u32 $0x7, v5;
	v6 =	vand.u32 $0xFFFFFFF0, v6  }
0x39: {  	v5 =	vor.u32 v5, v6  }
0x3a: {  	v6 =	vperm.xlane v5, v1;
	_ =	sdelay $0x1  }
0x3b: {  	v5 =	vperm.xlane v5, v3;
	v6 =	vadd.s32 v2, v6;
	_ =	sdelay $0x1  }
0x3c: {  	v5 =	vadd.s32 v2, v5;
	_ =	sdelay $0x1  }
0x3d: {  	s31 =	simm.s32 $0x1100  }
0x3e: {  	[tilespmem:s31], [sflag:$0x2] =	stream.indirect_vreg.gather [hbm4b:s3+s2], $0x80, v6, vm0, $0xb8;
	[tilespmem:$0x12100] =	vst v63  }
0x3f: {  	s31 =	simm.s32 $0x1900  }
0x40: {  	[tilespmem:s31], [sflag:$0x2] =	stream.indirect_vreg.gather [hbm4b:s3+s2], $0x80, v5, vm0, $0xb8;
	[tilespmem:$0x12100] =	vst v63  }
0x41: {  	v5 =	vld [tilespmem:$0x20];
	_ =	sdelay $0x4  }
0x42: {  	v6 =	vshll.u32 v5, $0x1  }
0x43: {  	v5 =	vand.u32 $0x7, v5;
	v6 =	vand.u32 $0xFFFFFFF0, v6  }
0x44: {  	v5 =	vor.u32 v5, v6  }
0x45: {  	v6 =	vperm.xlane v5, v1;
	_ =	sdelay $0x1  }
0x46: {  	v5 =	vperm.xlane v5, v3;
	v6 =	vadd.s32 v2, v6;
	_ =	sdelay $0x1  }
0x47: {  	v5 =	vadd.s32 v2, v5;
	_ =	sdelay $0x1  }
0x48: {  	s31 =	simm.s32 $0x2100  }
0x49: {  	[tilespmem:s31], [sflag:$0x2] =	stream.indirect_vreg.gather [hbm4b:s3+s2], $0x80, v6, vm0, $0xb8;
	[tilespmem:$0x12100] =	vst v63  }
0x4a: {  	s31 =	simm.s32 $0x2900  }
0x4b: {  	[tilespmem:s31], [sflag:$0x2] =	stream.indirect_vreg.gather [hbm4b:s3+s2], $0x80, v5, vm0, $0xb8;
	[tilespmem:$0x12100] =	vst v63  }
0x4c: {  	v5 =	vld [tilespmem:$0x30];
	_ =	sdelay $0x4  }
0x4d: {  	v6 =	vshll.u32 v5, $0x1  }
0x4e: {  	v5 =	vand.u32 $0x7, v5;
	v6 =	vand.u32 $0xFFFFFFF0, v6  }
0x4f: {  	v5 =	vor.u32 v5, v6  }
0x50: {  	v6 =	vperm.xlane v5, v1;
	_ =	sdelay $0x1  }
0x51: {  	v5 =	vperm.xlane v5, v3;
	v6 =	vadd.s32 v2, v6;
	_ =	sdelay $0x1  }
0x52: {  	v5 =	vadd.s32 v2, v5;
	_ =	sdelay $0x1  }
0x53: {  	s31 =	simm.s32 $0x3100  }
0x54: {  	[tilespmem:s31], [sflag:$0x2] =	stream.indirect_vreg.gather [hbm4b:s3+s2], $0x80, v6, vm0, $0xb8;
	[tilespmem:$0x12100] =	vst v63  }
0x55: {  	s31 =	simm.s32 $0x3900  }
0x56: {  	[tilespmem:s31], [sflag:$0x2] =	stream.indirect_vreg.gather [hbm4b:s3+s2], $0x80, v5, vm0, $0xb8;
	[tilespmem:$0x12100] =	vst v63  }
0x57: {  	v5 =	vld [tilespmem:$0x40];
	_ =	sdelay $0x4  }
0x58: {  	v6 =	vshll.u32 v5, $0x1  }
0x59: {  	v5 =	vand.u32 $0x7, v5;
	v6 =	vand.u32 $0xFFFFFFF0, v6  }
0x5a: {  	v5 =	vor.u32 v5, v6  }
0x5b: {  	v6 =	vperm.xlane v5, v1;
	_ =	sdelay $0x1  }
0x5c: {  	v5 =	vperm.xlane v5, v3;
	v6 =	vadd.s32 v2, v6;
	_ =	sdelay $0x1  }
0x5d: {  	v5 =	vadd.s32 v2, v5;
	_ =	sdelay $0x1  }
0x5e: {  	s31 =	simm.s32 $0x4100  }
0x5f: {  	[tilespmem:s31], [sflag:$0x2] =	stream.indirect_vreg.gather [hbm4b:s3+s2], $0x80, v6, vm0, $0xb8;
	[tilespmem:$0x12100] =	vst v63  }
0x60: {  	s31 =	simm.s32 $0x4900  }
0x61: {  	[tilespmem:s31], [sflag:$0x2] =	stream.indirect_vreg.gather [hbm4b:s3+s2], $0x80, v5, vm0, $0xb8;
	[tilespmem:$0x12100] =	vst v63  }
0x62: {  	v5 =	vld [tilespmem:$0x50];
	_ =	sdelay $0x4  }
0x63: {  	v6 =	vshll.u32 v5, $0x1  }
0x64: {  	v5 =	vand.u32 $0x7, v5;
	v6 =	vand.u32 $0xFFFFFFF0, v6  }
0x65: {  	v5 =	vor.u32 v5, v6  }
0x66: {  	v6 =	vperm.xlane v5, v1;
	_ =	sdelay $0x1  }
0x67: {  	v5 =	vperm.xlane v5, v3;
	v6 =	vadd.s32 v2, v6;
	_ =	sdelay $0x1  }
0x68: {  	v5 =	vadd.s32 v2, v5;
	_ =	sdelay $0x1  }
0x69: {  	s31 =	simm.s32 $0x5100  }
0x6a: {  	[tilespmem:s31], [sflag:$0x2] =	stream.indirect_vreg.gather [hbm4b:s3+s2], $0x80, v6, vm0, $0xb8;
	[tilespmem:$0x12100] =	vst v63  }
0x6b: {  	s31 =	simm.s32 $0x5900  }
0x6c: {  	[tilespmem:s31], [sflag:$0x2] =	stream.indirect_vreg.gather [hbm4b:s3+s2], $0x80, v5, vm0, $0xb8;
	[tilespmem:$0x12100] =	vst v63  }
0x6d: {  	v5 =	vld [tilespmem:$0x60];
	_ =	sdelay $0x4  }
0x6e: {  	v6 =	vshll.u32 v5, $0x1  }
0x6f: {  	v5 =	vand.u32 $0x7, v5;
	v6 =	vand.u32 $0xFFFFFFF0, v6  }
0x70: {  	v5 =	vor.u32 v5, v6  }
0x71: {  	v6 =	vperm.xlane v5, v1;
	_ =	sdelay $0x1  }
0x72: {  	v5 =	vperm.xlane v5, v3;
	v6 =	vadd.s32 v2, v6;
	_ =	sdelay $0x1  }
0x73: {  	v5 =	vadd.s32 v2, v5;
	_ =	sdelay $0x1  }
0x74: {  	s31 =	simm.s32 $0x6100  }
0x75: {  	[tilespmem:s31], [sflag:$0x2] =	stream.indirect_vreg.gather [hbm4b:s3+s2], $0x80, v6, vm0, $0xb8;
	[tilespmem:$0x12100] =	vst v63  }
0x76: {  	s31 =	simm.s32 $0x6900  }
0x77: {  	[tilespmem:s31], [sflag:$0x2] =	stream.indirect_vreg.gather [hbm4b:s3+s2], $0x80, v5, vm0, $0xb8;
	[tilespmem:$0x12100] =	vst v63  }
0x78: {  	v5 =	vld [tilespmem:$0x70];
	_ =	sdelay $0x4  }
0x79: {  	v6 =	vshll.u32 v5, $0x1  }
0x7a: {  	v5 =	vand.u32 $0x7, v5;
	v6 =	vand.u32 $0xFFFFFFF0, v6  }
0x7b: {  	v5 =	vor.u32 v5, v6  }
0x7c: {  	v6 =	vperm.xlane v5, v1;
	_ =	sdelay $0x1  }
0x7d: {  	v5 =	vperm.xlane v5, v3;
	v6 =	vadd.s32 v2, v6;
	_ =	sdelay $0x1  }
0x7e: {  	v5 =	vadd.s32 v2, v5;
	_ =	sdelay $0x1  }
0x7f: {  	s31 =	simm.s32 $0x7100  }
0x80: {  	[tilespmem:s31], [sflag:$0x2] =	stream.indirect_vreg.gather [hbm4b:s3+s2], $0x80, v6, vm0, $0xb8;
	[tilespmem:$0x12100] =	vst v63  }
0x81: {  	s31 =	simm.s32 $0x7900  }
0x82: {  	[tilespmem:s31], [sflag:$0x2] =	stream.indirect_vreg.gather [hbm4b:s3+s2], $0x80, v5, vm0, $0xb8;
	[tilespmem:$0x12100] =	vst v63  }
0x83: {  	v5 =	vld [tilespmem:$0x80];
	_ =	sdelay $0x4  }
0x84: {  	v6 =	vshll.u32 v5, $0x1  }
0x85: {  	v5 =	vand.u32 $0x7, v5;
	v6 =	vand.u32 $0xFFFFFFF0, v6  }
0x86: {  	v5 =	vor.u32 v5, v6  }
0x87: {  	v6 =	vperm.xlane v5, v1;
	_ =	sdelay $0x1  }
0x88: {  	v5 =	vperm.xlane v5, v3;
	v6 =	vadd.s32 v2, v6;
	_ =	sdelay $0x1  }
0x89: {  	v5 =	vadd.s32 v2, v5;
	_ =	sdelay $0x2  }
0x8a: {  	[tilespmem:s29], [sflag:$0x2] =	stream.indirect_vreg.gather [hbm4b:s3+s2], $0x80, v6, vm0, $0xb8;
	[tilespmem:$0x12100] =	vst v63  }
0x8b: {  	s31 =	simm.s32 $0x8900  }
0x8c: {  	[tilespmem:s31], [sflag:$0x2] =	stream.indirect_vreg.gather [hbm4b:s3+s2], $0x80, v5, vm0, $0xb8;
	[tilespmem:$0x12100] =	vst v63  }
0x8d: {  	v5 =	vld [tilespmem:$0x90];
	_ =	sdelay $0x4  }
0x8e: {  	v6 =	vshll.u32 v5, $0x1  }
0x8f: {  	v5 =	vand.u32 $0x7, v5;
	v6 =	vand.u32 $0xFFFFFFF0, v6  }
0x90: {  	v5 =	vor.u32 v5, v6  }
0x91: {  	v6 =	vperm.xlane v5, v1;
	_ =	sdelay $0x1  }
0x92: {  	v5 =	vperm.xlane v5, v3;
	v6 =	vadd.s32 v2, v6;
	_ =	sdelay $0x1  }
0x93: {  	v5 =	vadd.s32 v2, v5;
	_ =	sdelay $0x1  }
0x94: {  	s31 =	simm.s32 $0x9100  }
0x95: {  	[tilespmem:s31], [sflag:$0x2] =	stream.indirect_vreg.gather [hbm4b:s3+s2], $0x80, v6, vm0, $0xb8;
	[tilespmem:$0x12100] =	vst v63  }
0x96: {  	s31 =	simm.s32 $0x9900  }
0x97: {  	[tilespmem:s31], [sflag:$0x2] =	stream.indirect_vreg.gather [hbm4b:s3+s2], $0x80, v5, vm0, $0xb8;
	[tilespmem:$0x12100] =	vst v63  }
0x98: {  	v5 =	vld [tilespmem:$0xA0];
	_ =	sdelay $0x4  }
0x99: {  	v6 =	vshll.u32 v5, $0x1  }
0x9a: {  	v5 =	vand.u32 $0x7, v5;
	v6 =	vand.u32 $0xFFFFFFF0, v6  }
0x9b: {  	v5 =	vor.u32 v5, v6  }
0x9c: {  	v6 =	vperm.xlane v5, v1;
	_ =	sdelay $0x1  }
0x9d: {  	v5 =	vperm.xlane v5, v3;
	v6 =	vadd.s32 v2, v6;
	_ =	sdelay $0x1  }
0x9e: {  	v5 =	vadd.s32 v2, v5;
	_ =	sdelay $0x2  }
0x9f: {  	[tilespmem:s0], [sflag:$0x2] =	stream.indirect_vreg.gather [hbm4b:s3+s2], $0x80, v6, vm0, $0xb8;
	[tilespmem:$0x12100] =	vst v63  }
0xa0: {  	_ = 	snop  }
0xa1: {  	[tilespmem:s13], [sflag:$0x2] =	stream.indirect_vreg.gather [hbm4b:s3+s2], $0x80, v5, vm0, $0xb8;
	[tilespmem:$0x12100] =	vst v63  }
0xa2: {  	v5 =	vld [tilespmem:$0xB0];
	_ =	sdelay $0x4  }
0xa3: {  	v6 =	vshll.u32 v5, $0x1  }
0xa4: {  	v5 =	vand.u32 $0x7, v5;
	v6 =	vand.u32 $0xFFFFFFF0, v6  }
0xa5: {  	v5 =	vor.u32 v5, v6  }
0xa6: {  	v6 =	vperm.xlane v5, v1;
	_ =	sdelay $0x1  }
0xa7: {  	v5 =	vperm.xlane v5, v3;
	v6 =	vadd.s32 v2, v6;
	_ =	sdelay $0x1  }
0xa8: {  	v5 =	vadd.s32 v2, v5;
	_ =	sdelay $0x2  }
0xa9: {  	[tilespmem:s14], [sflag:$0x2] =	stream.indirect_vreg.gather [hbm4b:s3+s2], $0x80, v6, vm0, $0xb8;
	[tilespmem:$0x12100] =	vst v63  }
0xaa: {  	_ = 	snop  }
0xab: {  	[tilespmem:s15], [sflag:$0x2] =	stream.indirect_vreg.gather [hbm4b:s3+s2], $0x80, v5, vm0, $0xb8;
	[tilespmem:$0x12100] =	vst v63  }
0xac: {  	v5 =	vld [tilespmem:$0xC0];
	_ =	sdelay $0x4  }
0xad: {  	v6 =	vshll.u32 v5, $0x1  }
0xae: {  	v5 =	vand.u32 $0x7, v5;
	v6 =	vand.u32 $0xFFFFFFF0, v6  }
0xaf: {  	v5 =	vor.u32 v5, v6  }
0xb0: {  	v6 =	vperm.xlane v5, v1;
	_ =	sdelay $0x1  }
0xb1: {  	v5 =	vperm.xlane v5, v3;
	v6 =	vadd.s32 v2, v6;
	_ =	sdelay $0x1  }
0xb2: {  	v5 =	vadd.s32 v2, v5;
	_ =	sdelay $0x2  }
0xb3: {  	[tilespmem:s16], [sflag:$0x2] =	stream.indirect_vreg.gather [hbm4b:s3+s2], $0x80, v6, vm0, $0xb8;
	[tilespmem:$0x12100] =	vst v63  }
0xb4: {  	_ = 	snop  }
0xb5: {  	[tilespmem:s17], [sflag:$0x2] =	stream.indirect_vreg.gather [hbm4b:s3+s2], $0x80, v5, vm0, $0xb8;
	[tilespmem:$0x12100] =	vst v63  }
0xb6: {  	v5 =	vld [tilespmem:$0xD0];
	_ =	sdelay $0x4  }
0xb7: {  	v6 =	vshll.u32 v5, $0x1  }
0xb8: {  	v5 =	vand.u32 $0x7, v5;
	v6 =	vand.u32 $0xFFFFFFF0, v6  }
0xb9: {  	v5 =	vor.u32 v5, v6  }
0xba: {  	v6 =	vperm.xlane v5, v1;
	_ =	sdelay $0x1  }
0xbb: {  	v5 =	vperm.xlane v5, v3;
	v6 =	vadd.s32 v2, v6;
	_ =	sdelay $0x1  }
0xbc: {  	v5 =	vadd.s32 v2, v5;
	_ =	sdelay $0x2  }
0xbd: {  	[tilespmem:s18], [sflag:$0x2] =	stream.indirect_vreg.gather [hbm4b:s3+s2], $0x80, v6, vm0, $0xb8;
	[tilespmem:$0x12100] =	vst v63  }
0xbe: {  	_ = 	snop  }
0xbf: {  	[tilespmem:s19], [sflag:$0x2] =	stream.indirect_vreg.gather [hbm4b:s3+s2], $0x80, v5, vm0, $0xb8;
	[tilespmem:$0x12100] =	vst v63  }
0xc0: {  	v5 =	vld [tilespmem:$0xE0];
	_ =	sdelay $0x4  }
0xc1: {  	v6 =	vshll.u32 v5, $0x1  }
0xc2: {  	v5 =	vand.u32 $0x7, v5;
	v6 =	vand.u32 $0xFFFFFFF0, v6  }
0xc3: {  	v5 =	vor.u32 v5, v6  }
0xc4: {  	v6 =	vperm.xlane v5, v1;
	_ =	sdelay $0x1  }
0xc5: {  	v5 =	vperm.xlane v5, v3;
	v6 =	vadd.s32 v2, v6;
	_ =	sdelay $0x1  }
0xc6: {  	v5 =	vadd.s32 v2, v5;
	_ =	sdelay $0x2  }
0xc7: {  	[tilespmem:s20], [sflag:$0x2] =	stream.indirect_vreg.gather [hbm4b:s3+s2], $0x80, v6, vm0, $0xb8;
	[tilespmem:$0x12100] =	vst v63  }
0xc8: {  	_ = 	snop  }
0xc9: {  	[tilespmem:s21], [sflag:$0x2] =	stream.indirect_vreg.gather [hbm4b:s3+s2], $0x80, v5, vm0, $0xb8;
	[tilespmem:$0x12100] =	vst v63  }
0xca: {  	v5 =	vld [tilespmem:$0xF0];
	_ =	sdelay $0x4  }
0xcb: {  	v6 =	vshll.u32 v5, $0x1  }
0xcc: {  	v5 =	vand.u32 $0x7, v5;
	v6 =	vand.u32 $0xFFFFFFF0, v6  }
0xcd: {  	v5 =	vor.u32 v5, v6  }
0xce: {  	v6 =	vperm.xlane v5, v1;
	_ =	sdelay $0x1  }
0xcf: {  	v5 =	vperm.xlane v5, v3;
	v6 =	vadd.s32 v2, v6;
	_ =	sdelay $0x1  }
0xd0: {  	v5 =	vadd.s32 v2, v5;
	_ =	sdelay $0x2  }
0xd1: {  	[tilespmem:s22], [sflag:$0x2] =	stream.indirect_vreg.gather [hbm4b:s3+s2], $0x80, v6, vm0, $0xb8;
	[tilespmem:$0x12100] =	vst v63  }
0xd2: {  	_ = 	snop  }
0xd3: {  	[tilespmem:s23], [sflag:$0x2] =	stream.indirect_vreg.gather [hbm4b:s3+s2], $0x80, v5, vm0, $0xb8;
	[tilespmem:$0x12100] =	vst v63  }
0xd4: {  	v5 =	vld [tilespmem:$0x0];
	_ =	sdelay $0x7  }
0xd5: {  	[tilespmem:v5+s24+$0x0] =	vst.idx.add.f32.msk $0xffff, v4  }
0xd6: {  	v5 =	vld [tilespmem:$0x10];
	_ =	sdelay $0x7  }
0xd7: {  	[tilespmem:v5+s24+$0x0] =	vst.idx.add.f32.msk $0xffff, v4  }
0xd8: {  	v5 =	vld [tilespmem:$0x20];
	_ =	sdelay $0x7  }
0xd9: {  	[tilespmem:v5+s24+$0x0] =	vst.idx.add.f32.msk $0xffff, v4  }
0xda: {  	v5 =	vld [tilespmem:$0x30];
	_ =	sdelay $0x7  }
0xdb: {  	[tilespmem:v5+s24+$0x0] =	vst.idx.add.f32.msk $0xffff, v4  }
0xdc: {  	v5 =	vld [tilespmem:$0x40];
	_ =	sdelay $0x7  }
0xdd: {  	[tilespmem:v5+s24+$0x0] =	vst.idx.add.f32.msk $0xffff, v4  }
0xde: {  	v5 =	vld [tilespmem:$0x50];
	_ =	sdelay $0x7  }
0xdf: {  	[tilespmem:v5+s24+$0x0] =	vst.idx.add.f32.msk $0xffff, v4  }
0xe0: {  	v5 =	vld [tilespmem:$0x60];
	_ =	sdelay $0x7  }
0xe1: {  	[tilespmem:v5+s24+$0x0] =	vst.idx.add.f32.msk $0xffff, v4  }
0xe2: {  	v5 =	vld [tilespmem:$0x70];
	_ =	sdelay $0x7  }
0xe3: {  	[tilespmem:v5+s24+$0x0] =	vst.idx.add.f32.msk $0xffff, v4  }
0xe4: {  	v5 =	vld [tilespmem:$0x80];
	_ =	sdelay $0x7  }
0xe5: {  	[tilespmem:v5+s24+$0x0] =	vst.idx.add.f32.msk $0xffff, v4  }
0xe6: {  	v5 =	vld [tilespmem:$0x90];
	_ =	sdelay $0x7  }
0xe7: {  	[tilespmem:v5+s24+$0x0] =	vst.idx.add.f32.msk $0xffff, v4  }
0xe8: {  	v5 =	vld [tilespmem:$0xA0];
	_ =	sdelay $0x7  }
0xe9: {  	[tilespmem:v5+s24+$0x0] =	vst.idx.add.f32.msk $0xffff, v4  }
0xea: {  	v5 =	vld [tilespmem:$0xB0];
	_ =	sdelay $0x7  }
0xeb: {  	[tilespmem:v5+s24+$0x0] =	vst.idx.add.f32.msk $0xffff, v4  }
0xec: {  	v5 =	vld [tilespmem:$0xC0];
	_ =	sdelay $0x7  }
0xed: {  	[tilespmem:v5+s24+$0x0] =	vst.idx.add.f32.msk $0xffff, v4  }
0xee: {  	v5 =	vld [tilespmem:$0xD0];
	_ =	sdelay $0x7  }
0xef: {  	[tilespmem:v5+s24+$0x0] =	vst.idx.add.f32.msk $0xffff, v4  }
0xf0: {  	v5 =	vld [tilespmem:$0xE0];
	_ =	sdelay $0x7  }
0xf1: {  	[tilespmem:v5+s24+$0x0] =	vst.idx.add.f32.msk $0xffff, v4  }
0xf2: {  	v5 =	vld [tilespmem:$0xF0];
	_ =	sdelay $0x7  }
0xf3: {  	[tilespmem:v5+s24+$0x0] =	vst.idx.add.f32.msk $0xffff, v4  }
0xf4: {  	_ =	swait.ge [sflag:s25], $0x8000  }
0xf5: {  	[sflag:s25] =	ssyncset.done $0x0  }
0xf6: {  	[sflag:s25] =	ssyncadd.s32 $0xFFFF8000  }
0xf7: {  	[hbm4b:s6+s2] =	stream.linear.scatter [tilespmem:s12], [sflag:$0x3], $0x8000, $0x38;
	[tilespmem:$0x12100] =	vst v63  }
0xf8: {  	_ =	swait.ge [sflag:s26], $0x8000  }
0xf9: {  	[sflag:s26] =	ssyncset.done $0x0  }
0xfa: {  	[sflag:s26] =	ssyncadd.s32 $0xFFFF8000  }
0xfb: {  	_ =	swait.ge [sflag:s25], $0x8000  }
0xfc: {  	[sflag:s25] =	ssyncset.done $0x0  }
0xfd: {  	[sflag:s25] =	ssyncadd.s32 $0xFFFF8000  }
0xfe: {  	[hbm4b:s7+s2] =	stream.linear.scatter [tilespmem:s29], [sflag:$0x3], $0x8000, $0x38;
	[tilespmem:$0x12100] =	vst v63  }
0xff: {  	s30 =	sadd.s32 $0x1, s30;
	_ =	swait.ge [sflag:s26], $0x8000  }
0x100: {  	p0 =	sne.s32 s30, s9;
	[sflag:s26] =	ssyncset.done $0x0  }
.Ltmp1:
0x101: {  	[sflag:s26] =	ssyncadd.s32 $0xFFFF8000;
	(pc) =	sbr.rel @p0 .LBB2_1-.Ltmp1, $4  }
0x102: {  	[hbm4b:s8+s10] =	stream.strided.scatter [tilespmem:s24], [sflag:$0x3], $0x2000, s28, s10, $0x38;
	[tilespmem:$0x12100] =	vst v63  }
0x103: {  	_ =	swait.ge [sflag:s26], $0x2000  }
0x104: {  	[sflag:s26] =	ssyncset.done $0x0  }
0x105: {  	[sflag:s26] =	ssyncadd.s32 $0xFFFFE000  }
0x106: {  	_ =	sfence.sel $0x180000  }
0x107: {  	[bflag:$0x0] =	sbarrier.arrive $0xFFFF  }
0x108: {  	_ =	strace $0x90000047  }
0x109: {  	s0 =	stileid.u32;
	[bflag:$0x2] =	sbarrier.arrive $0xFFFF  }
0x10a: {  	p0 =	sne.s32 s0, $0x0;
	s0 =	rddreg [dreg:$0x2]  }
0x10b: {  	s0 =	sadd.s32 @!p0 $0x100000, s0  }
0x10c: {  	[sflag:s0] =	ssyncadd.tile.s32 @!p0 $0x1;
	_ =	shalt  }
.Lfunc_end2:
_tile_overlayer_lowered:
.L_overlay_start_2:
0x10d: {  	(tag) =	ssettag $0x2  }
0x10e: {  	s0 =	rddreg [dreg:$0x0];
	s2 =	stileid.u32  }
0x10f: {  	s1 =	rddreg [dreg:$0x1];
	p0 =	sne.s32 s2, $0x0  }
0x110: {  	s3 =	rddreg [dreg:$0x2];
	[bflag:$0x3] =	sbarrier.arrive $0xFFFF;
	s2 =	simm.s32 @!p0 $0x1C03  }
0x111: {  	[timem:s3], [sflag:s2] =	dma.local @!p0 [hbm:s0], s1  }
0x112: {  	s0 =	simm.s32 @!p0 $0x3  }
0x113: {  	_ =	swait.ge @!p0 [sflag:s0], s1  }
0x114: {  	s1 =	ssub.s32 @!p0 $0x0, s1;
	[sflag:s0] =	ssyncset.done @!p0 $0x0  }
0x115: {  	[sflag:s0] =	ssyncadd.s32 @!p0 s1  }
0x116: {  	[bflag:$0x3] =	sbarrier.arrive $0xFFFF  }
0x117: {  	_ =	shalt  }

</sc_bundles>
